<compile_context>
chip_gen: v7x
topology: tpu7x:2x2x1
jax: 0.10.2.dev20260603
libtpu: 0.0.44.dev20260713+nightly
codegen_flags: <defaults>
</compile_context>

<pallas_src>
import functools

import jax
import jax.numpy as jnp
from jax import lax
from jax.experimental import pallas as pl
from jax.experimental.pallas import tpu as pltpu
from jax.experimental.pallas import tpu_sc as plsc

_B = 16
_N = 256
_L = 256
_T = _B * _L
_TRI = _N * (_N + 1) // 2
_OUT1 = _N * _N
_HALF = _OUT1 // 2
_NEG_INV_2SIG2 = -32768.0


def _elu(h):
    return jnp.where(h > 0, h, jnp.exp(h) - 1.0)


def _dot(a, b):
    return jnp.dot(a, b, preferred_element_type=jnp.float32)


def _prep_body(ptr_ref, x_ref, wca_ref, bca_ref, bins_ref,
               w1_ref, b1_ref, w2_ref, b2_ref, w3_ref, b3_ref,
               h3_ref, pada_ref, vals_ref, padc_ref):
    vals_ref[...] = _dot(x_ref[...], wca_ref[...]) + bca_ref[...]
    bins = bins_ref[...]

    def body(b, carry):
        off = ptr_ref[b]
        v = vals_ref[pl.ds(off, _L), :]
        vmin = jnp.min(v, axis=0, keepdims=True)
        vmax = jnp.max(v, axis=0, keepdims=True)
        vn = (v - vmin) * 2.0 / (vmax - vmin) - 1.0
        dc = vn[:, 0:1] - bins
        da = vn[:, 1:2] - bins
        hc = jnp.sum(jnp.exp(dc * dc * _NEG_INV_2SIG2), axis=0, keepdims=True)
        ha = jnp.sum(jnp.exp(da * da * _NEG_INV_2SIG2), axis=0, keepdims=True)
        padc_ref[pl.ds(b, 1), :] = hc
        pada_ref[pl.ds(b, 1), :] = ha
        return carry

    lax.fori_loop(0, _B, body, 0)

    h = _elu(_dot(padc_ref[...], w1_ref[...]) + b1_ref[...])
    h = _elu(_dot(h, w2_ref[...]) + b2_ref[...])
    h3_ref[...] = _elu(_dot(h, w3_ref[...]) + b3_ref[...])


_prep_call = pl.pallas_call(
    _prep_body,
    in_specs=[pl.BlockSpec(memory_space=pltpu.SMEM)] +
             [pl.BlockSpec(memory_space=pltpu.VMEM)] * 10,
    out_specs=[
        pl.BlockSpec(memory_space=pltpu.VMEM),
        pl.BlockSpec(memory_space=pltpu.VMEM),
    ],
    out_shape=[
        jax.ShapeDtypeStruct((_B, 1024), jnp.float32),
        jax.ShapeDtypeStruct((_B, _N), jnp.float32),
    ],
    scratch_shapes=[
        pltpu.VMEM((_T, 2), jnp.float32),
        pltpu.VMEM((_B, _N), jnp.float32),
    ],
)


def _atoms_body(pada_ref, a1_ref, c1_ref, a2_ref, c2_ref, a3_ref, c3_ref,
                a4_ref, c4_ref, x2_ref):
    g = _elu(_dot(pada_ref[...], a1_ref[...]) + c1_ref[...])
    g = _elu(_dot(g, a2_ref[...]) + c2_ref[...])
    g = _elu(_dot(g, a3_ref[...]) + c3_ref[...])
    x2_ref[...] = _dot(g, a4_ref[...]) + c4_ref[...]


_atoms_call = pl.pallas_call(
    _atoms_body,
    out_shape=jax.ShapeDtypeStruct((_B, 2816), jnp.float32),
)


def _wide_body(h_ref, w_ref, b_ref, out_ref):
    out_ref[...] = _dot(h_ref[...], w_ref[...]) + b_ref[...]


def _wide_call(h, w, b, tile_n):
    k, n = w.shape
    grid = pl.cdiv(n, tile_n)
    call = pl.pallas_call(
        _wide_body,
        grid=(grid,),
        in_specs=[
            pl.BlockSpec((_B, k), lambda t: (0, 0)),
            pl.BlockSpec((k, tile_n), lambda t: (0, t)),
            pl.BlockSpec((1, tile_n), lambda t: (0, t)),
        ],
        out_specs=pl.BlockSpec((_B, tile_n), lambda t: (0, t)),
        out_shape=jax.ShapeDtypeStruct((_B, n), jnp.float32),
        compiler_params=pltpu.CompilerParams(
            dimension_semantics=("arbitrary",)),
    )
    return call(h, w, b)


def _expand_body(diag_hbm, out_hbm, diag_v, out_v, sem):
    cid = lax.axis_index("c")
    sid = lax.axis_index("s")
    b = sid
    half = cid
    pltpu.sync_copy(diag_hbm.at[b], diag_v)
    lanes = lax.iota(jnp.int32, 16)
    row0 = half * (_N // 2)
    cols = [cb * 16 + lanes for cb in range(16)]
    flow = [c * 255 - jnp.right_shift(c * (c - 1), 1) for c in cols]

    @plsc.parallel_loop(0, _N // 2, step=1, unroll=3)
    def body(i):
        r = row0 + i
        fr = r * 255 - jnp.right_shift(r * (r - 1), 1)
        base = i * _N
        for cb in range(16):
            k = jnp.where(cols[cb] < r, flow[cb] + r, cols[cb] + fr)
            out_v[pl.ds(base + cb * 16, 16)] = plsc.load_gather(diag_v, [k])

    pltpu.async_copy(out_v, out_hbm.at[b, pl.ds(half * _HALF, _HALF)],
                     sem).wait()


@functools.cache
def _expand_call():
    return functools.partial(
        pl.kernel,
        out_type=jax.ShapeDtypeStruct((_B, _OUT1), jnp.float32),
        mesh=plsc.VectorSubcoreMesh(core_axis_name="c", subcore_axis_name="s",
                                    num_cores=2, num_subcores=16),
        scratch_types=[
            pltpu.VMEM((_TRI,), jnp.float32),
            pltpu.VMEM((_HALF,), jnp.float32),
            pltpu.SemaphoreType.DMA,
        ],
        compiler_params=pltpu.CompilerParams(needs_layout_passes=False),
    )(_expand_body)


def kernel(x, ptr, Wc, bc, Wa, ba, cmap_params, atoms_params):
    w1, b1, w2, b2, w3, b3, w4, b4 = cmap_params
    a1, c1, a2, c2, a3, c3, a4, c4 = atoms_params

    wca = jnp.concatenate([Wc, Wa], axis=1)
    bca = jnp.concatenate([bc, ba]).reshape(1, 2)
    bins = (jnp.linspace(-1.0, 1.0, _N + 1)[1:] + 0.1 * 0.5).reshape(1, _N)
    b4r = b4.reshape(1, -1)

    h3, pada = _prep_call(
        ptr, x, wca, bca, bins,
        w1, b1.reshape(1, -1), w2, b2.reshape(1, -1), w3, b3.reshape(1, -1))

    diag = _wide_call(h3, w4, b4r, 2048)

    x2 = _atoms_call(pada, a1, c1.reshape(1, -1), a2, c2.reshape(1, -1),
                     a3, c3.reshape(1, -1), a4, c4.reshape(1, -1))

    out1 = _expand_call()(diag)
    return out1, x2

# --- scband reference (transcript-rebuilt; emitter-appended) ---
"""Pipeline reference for scband-rsn-insto-3728031613677 (READ-ONLY COPY).

The authoritative reference and input builder live on the scoring server;
editing this copy changes nothing except your own understanding.
"""

import jax, jax.numpy as jnp
import numpy as np

B = 16
MAX_N = 256
L = 256
T = B * L
D = 128
HC = 1024
HA = 512
NTYPE = 10
TRI = MAX_N * (MAX_N + 1) // 2
SIGMA = 1.0 / MAX_N


def _bins():
    # Calculate_bins: r spans exactly [-1, 1], so histogram edges are deterministic
    edges = jnp.linspace(-1.0, 1.0, MAX_N + 1)
    off = (2.0 / 20.0) * 0.5
    return edges[1:] + off


def setup_inputs(seed: int = 0):
    key = jax.random.key(seed)
    ks = jax.random.split(key, 16)
    x = jax.random.normal(ks[0], (T, D), dtype=jnp.float32)
    ptr = jnp.arange(B + 1, dtype=jnp.int32) * L
    s = 0.02
    Wc = jax.random.normal(ks[1], (D, 1), dtype=jnp.float32) * s
    bc = jnp.zeros((1,), dtype=jnp.float32)
    Wa = jax.random.normal(ks[2], (D, 1), dtype=jnp.float32) * s
    ba = jnp.zeros((1,), dtype=jnp.float32)
    cmap_dims = [(MAX_N, HC), (HC, HC), (HC, HC), (HC, TRI)]
    atoms_dims = [(MAX_N, HA), (HA, HA), (HA, HA), (HA, MAX_N * (NTYPE + 1))]
    cmap_params = []
    for i, (di, do) in enumerate(cmap_dims):
        cmap_params.append(jax.random.normal(ks[3 + i], (di, do), dtype=jnp.float32) * (1.0 / np.sqrt(di)))
        cmap_params.append(jnp.zeros((do,), dtype=jnp.float32))
    atoms_params = []
    for i, (di, do) in enumerate(atoms_dims):
        atoms_params.append(jax.random.normal(ks[8 + i], (di, do), dtype=jnp.float32) * (1.0 / np.sqrt(di)))
        atoms_params.append(jnp.zeros((do,), dtype=jnp.float32))
    return {
        "x": x,
        "ptr": ptr,
        "Wc": Wc,
        "bc": bc,
        "Wa": Wa,
        "ba": ba,
        "cmap_params": tuple(cmap_params),
        "atoms_params": tuple(atoms_params),
    }


def _histo_gaus(vec_norm):
    bins = _bins()
    return jnp.exp(-(vec_norm[None, :] - bins[:, None]) ** 2 / (2.0 * SIGMA ** 2)).sum(axis=1)


def _pad(vals, ptr):
    rows = []
    for i in range(B):
        v = jax.lax.dynamic_slice_in_dim(vals, ptr[i], L, axis=0)[:, 0]
        vn = (v - jnp.min(v)) * 2.0 / (jnp.max(v) - jnp.min(v)) - 1.0
        rows.append(_histo_gaus(vn))
    return jnp.stack(rows)


def _mlp(h, params):
    n = len(params)
    for i in range(0, n - 2, 2):
        h = jax.nn.elu(h @ params[i] + params[i + 1])
    return h @ params[-2] + params[-1]


def reference(x, ptr, Wc, bc, Wa, ba, cmap_params, atoms_params):
    x_cmap = x @ Wc + bc
    pad_c = _pad(x_cmap, ptr)
    x1_diag = _mlp(pad_c, cmap_params)
    ii, jj = jnp.triu_indices(MAX_N)
    x1 = jnp.zeros((B, MAX_N, MAX_N), dtype=x1_diag.dtype)
    x1 = x1.at[:, ii, jj].set(x1_diag)
    x1 = x1.at[:, jj, ii].set(x1_diag)
    x_atoms = x @ Wa + ba
    pad_a = _pad(x_atoms, ptr)
    x2 = _mlp(pad_a, atoms_params)
    return x1.reshape(B, MAX_N * MAX_N), x2

if __name__ == "__main__":
    import jax
    _d = setup_inputs()
    print(jax.jit(kernel)(*tuple(_d.values())))

</pallas_src>

<mosaic_0001>
#map = affine_map<(d0, d1) -> (0, 0)>
module attributes {stable_mosaic.version = 14 : i64} {
  func.func @_expand_body(%arg0: i32, %arg1: i32, %arg2: memref<16x32896xf32, #tpu.memory_space<hbm>>, %arg3: memref<16x65536xf32, #tpu.memory_space<hbm>>, %arg4: memref<32896xf32, #tpu.memory_space<vmem>>, %arg5: memref<32768xf32, #tpu.memory_space<vmem>>, %arg6: memref<!tpu.dma_semaphore, #tpu.memory_space<semaphore_mem>>) attributes {dimension_semantics = [#tpu.dimension_semantics<core_parallel>, #tpu.dimension_semantics<subcore_parallel>], iteration_bounds = array<i64: 2, 16>, scalar_prefetch = 0 : i64, scratch_operands = 3 : i64, tpu.core_type = #tpu.core_type<sc_vector_subcore>, window_params = [{transform_indices = #map}, {transform_indices = #map}]} {
    "tpu.region"() ({
      %run_scoped3A = tpu.sem_alloc : memref<!tpu.dma_semaphore, #tpu.memory_space<semaphore_mem>>
      %dma_start3A_232 = arith.constant 0 : i32
      %dma_start3A_233 = tpu.memref_slice %arg2[%arg1, %dma_start3A_232] : memref<16x32896xf32, #tpu.memory_space<hbm>> -> memref<1x32896xf32, #tpu.memory_space<hbm>>
      %dma_start3A_234 = tpu.memref_squeeze %dma_start3A_233 : memref<1x32896xf32, #tpu.memory_space<hbm>> -> memref<32896xf32, #tpu.memory_space<hbm>>
      %dma_start3A_235 = arith.constant 0 : i32
      %dma_start3A_236 = tpu.memref_slice %arg2[%arg1, %dma_start3A_235] : memref<16x32896xf32, #tpu.memory_space<hbm>> -> memref<1x32896xf32, #tpu.memory_space<hbm>>
      %dma_start3A_237 = tpu.memref_squeeze %dma_start3A_236 : memref<1x32896xf32, #tpu.memory_space<hbm>> -> memref<32896xf32, #tpu.memory_space<hbm>>
      tpu.enqueue_dma source(%dma_start3A_237 : memref<32896xf32, #tpu.memory_space<hbm>>) target(%arg4 : memref<32896xf32, #tpu.memory_space<vmem>>) target_semaphore(%run_scoped3A : memref<!tpu.dma_semaphore, #tpu.memory_space<semaphore_mem>>)
      %dma_wait3A_238 = arith.constant 0 : i32
      %dma_wait3A_239 = tpu.memref_slice %arg2[%arg1, %dma_wait3A_238] : memref<16x32896xf32, #tpu.memory_space<hbm>> -> memref<1x32896xf32, #tpu.memory_space<hbm>>
      %dma_wait3A_240 = tpu.memref_squeeze %dma_wait3A_239 : memref<1x32896xf32, #tpu.memory_space<hbm>> -> memref<32896xf32, #tpu.memory_space<hbm>>
      %dma_wait3A_241 = arith.constant 0 : i32
      %dma_wait3A_242 = tpu.memref_slice %arg2[%arg1, %dma_wait3A_241] : memref<16x32896xf32, #tpu.memory_space<hbm>> -> memref<1x32896xf32, #tpu.memory_space<hbm>>
      %dma_wait3A_243 = tpu.memref_squeeze %dma_wait3A_242 : memref<1x32896xf32, #tpu.memory_space<hbm>> -> memref<32896xf32, #tpu.memory_space<hbm>>
      tpu.wait_dma2 semaphore(%run_scoped3A : memref<!tpu.dma_semaphore, #tpu.memory_space<semaphore_mem>>) src(%dma_wait3A_243 : memref<32896xf32, #tpu.memory_space<hbm>>) dst(%arg4 : memref<32896xf32, #tpu.memory_space<vmem>>)
      tpu.yield
    }) : () -> ()
    %iota3A = tpu.iota {dimensions = array<i32: 0>} : vector<16xi32>
    %mul3A = arith.constant 128 : i32
    %mul3A_0 = arith.muli %arg0, %mul3A : i32
    %add3A = arith.constant 0 : i32
    %add3A_1 = vector.broadcast %add3A : i32 to vector<16xi32>
    %add3A_2 = arith.addi %add3A_1, %iota3A : vector<16xi32>
    %add3A_3 = arith.constant 16 : i32
    %add3A_4 = vector.broadcast %add3A_3 : i32 to vector<16xi32>
    %add3A_5 = arith.addi %add3A_4, %iota3A : vector<16xi32>
    %add3A_6 = arith.constant 32 : i32
    %add3A_7 = vector.broadcast %add3A_6 : i32 to vector<16xi32>
    %add3A_8 = arith.addi %add3A_7, %iota3A : vector<16xi32>
    %add3A_9 = arith.constant 48 : i32
    %add3A_10 = vector.broadcast %add3A_9 : i32 to vector<16xi32>
    %add3A_11 = arith.addi %add3A_10, %iota3A : vector<16xi32>
    %add3A_12 = arith.constant 64 : i32
    %add3A_13 = vector.broadcast %add3A_12 : i32 to vector<16xi32>
    %add3A_14 = arith.addi %add3A_13, %iota3A : vector<16xi32>
    %add3A_15 = arith.constant 80 : i32
    %add3A_16 = vector.broadcast %add3A_15 : i32 to vector<16xi32>
    %add3A_17 = arith.addi %add3A_16, %iota3A : vector<16xi32>
    %add3A_18 = arith.constant 96 : i32
    %add3A_19 = vector.broadcast %add3A_18 : i32 to vector<16xi32>
    %add3A_20 = arith.addi %add3A_19, %iota3A : vector<16xi32>
    %add3A_21 = arith.constant 112 : i32
    %add3A_22 = vector.broadcast %add3A_21 : i32 to vector<16xi32>
    %add3A_23 = arith.addi %add3A_22, %iota3A : vector<16xi32>
    %add3A_24 = arith.constant 128 : i32
    %add3A_25 = vector.broadcast %add3A_24 : i32 to vector<16xi32>
    %add3A_26 = arith.addi %add3A_25, %iota3A : vector<16xi32>
    %add3A_27 = arith.constant 144 : i32
    %add3A_28 = vector.broadcast %add3A_27 : i32 to vector<16xi32>
    %add3A_29 = arith.addi %add3A_28, %iota3A : vector<16xi32>
    %add3A_30 = arith.constant 160 : i32
    %add3A_31 = vector.broadcast %add3A_30 : i32 to vector<16xi32>
    %add3A_32 = arith.addi %add3A_31, %iota3A : vector<16xi32>
    %add3A_33 = arith.constant 176 : i32
    %add3A_34 = vector.broadcast %add3A_33 : i32 to vector<16xi32>
    %add3A_35 = arith.addi %add3A_34, %iota3A : vector<16xi32>
    %add3A_36 = arith.constant 192 : i32
    %add3A_37 = vector.broadcast %add3A_36 : i32 to vector<16xi32>
    %add3A_38 = arith.addi %add3A_37, %iota3A : vector<16xi32>
    %add3A_39 = arith.constant 208 : i32
    %add3A_40 = vector.broadcast %add3A_39 : i32 to vector<16xi32>
    %add3A_41 = arith.addi %add3A_40, %iota3A : vector<16xi32>
    %add3A_42 = arith.constant 224 : i32
    %add3A_43 = vector.broadcast %add3A_42 : i32 to vector<16xi32>
    %add3A_44 = arith.addi %add3A_43, %iota3A : vector<16xi32>
    %add3A_45 = arith.constant 240 : i32
    %add3A_46 = vector.broadcast %add3A_45 : i32 to vector<16xi32>
    %add3A_47 = arith.addi %add3A_46, %iota3A : vector<16xi32>
    %mul3A_48 = arith.constant 255 : i32
    %mul3A_49 = vector.broadcast %mul3A_48 : i32 to vector<16xi32>
    %mul3A_50 = arith.muli %add3A_2, %mul3A_49 : vector<16xi32>
    %sub3A = arith.constant 1 : i32
    %sub3A_51 = vector.broadcast %sub3A : i32 to vector<16xi32>
    %sub3A_52 = arith.subi %add3A_2, %sub3A_51 : vector<16xi32>
    %mul3A_53 = arith.muli %add3A_2, %sub3A_52 : vector<16xi32>
    %shift_right_arithmetic3A = arith.constant 1 : i32
    %shift_right_arithmetic3A_54 = vector.broadcast %shift_right_arithmetic3A : i32 to vector<16xi32>
    %shift_right_arithmetic3A_55 = arith.shrsi %mul3A_53, %shift_right_arithmetic3A_54 : vector<16xi32>
    %sub3A_56 = arith.subi %mul3A_50, %shift_right_arithmetic3A_55 : vector<16xi32>
    %mul3A_57 = arith.constant 255 : i32
    %mul3A_58 = vector.broadcast %mul3A_57 : i32 to vector<16xi32>
    %mul3A_59 = arith.muli %add3A_5, %mul3A_58 : vector<16xi32>
    %sub3A_60 = arith.constant 1 : i32
    %sub3A_61 = vector.broadcast %sub3A_60 : i32 to vector<16xi32>
    %sub3A_62 = arith.subi %add3A_5, %sub3A_61 : vector<16xi32>
    %mul3A_63 = arith.muli %add3A_5, %sub3A_62 : vector<16xi32>
    %shift_right_arithmetic3A_64 = arith.constant 1 : i32
    %shift_right_arithmetic3A_65 = vector.broadcast %shift_right_arithmetic3A_64 : i32 to vector<16xi32>
    %shift_right_arithmetic3A_66 = arith.shrsi %mul3A_63, %shift_right_arithmetic3A_65 : vector<16xi32>
    %sub3A_67 = arith.subi %mul3A_59, %shift_right_arithmetic3A_66 : vector<16xi32>
    %mul3A_68 = arith.constant 255 : i32
    %mul3A_69 = vector.broadcast %mul3A_68 : i32 to vector<16xi32>
    %mul3A_70 = arith.muli %add3A_8, %mul3A_69 : vector<16xi32>
    %sub3A_71 = arith.constant 1 : i32
    %sub3A_72 = vector.broadcast %sub3A_71 : i32 to vector<16xi32>
    %sub3A_73 = arith.subi %add3A_8, %sub3A_72 : vector<16xi32>
    %mul3A_74 = arith.muli %add3A_8, %sub3A_73 : vector<16xi32>
    %shift_right_arithmetic3A_75 = arith.constant 1 : i32
    %shift_right_arithmetic3A_76 = vector.broadcast %shift_right_arithmetic3A_75 : i32 to vector<16xi32>
    %shift_right_arithmetic3A_77 = arith.shrsi %mul3A_74, %shift_right_arithmetic3A_76 : vector<16xi32>
    %sub3A_78 = arith.subi %mul3A_70, %shift_right_arithmetic3A_77 : vector<16xi32>
    %mul3A_79 = arith.constant 255 : i32
    %mul3A_80 = vector.broadcast %mul3A_79 : i32 to vector<16xi32>
    %mul3A_81 = arith.muli %add3A_11, %mul3A_80 : vector<16xi32>
    %sub3A_82 = arith.constant 1 : i32
    %sub3A_83 = vector.broadcast %sub3A_82 : i32 to vector<16xi32>
    %sub3A_84 = arith.subi %add3A_11, %sub3A_83 : vector<16xi32>
    %mul3A_85 = arith.muli %add3A_11, %sub3A_84 : vector<16xi32>
    %shift_right_arithmetic3A_86 = arith.constant 1 : i32
    %shift_right_arithmetic3A_87 = vector.broadcast %shift_right_arithmetic3A_86 : i32 to vector<16xi32>
    %shift_right_arithmetic3A_88 = arith.shrsi %mul3A_85, %shift_right_arithmetic3A_87 : vector<16xi32>
    %sub3A_89 = arith.subi %mul3A_81, %shift_right_arithmetic3A_88 : vector<16xi32>
    %mul3A_90 = arith.constant 255 : i32
    %mul3A_91 = vector.broadcast %mul3A_90 : i32 to vector<16xi32>
    %mul3A_92 = arith.muli %add3A_14, %mul3A_91 : vector<16xi32>
    %sub3A_93 = arith.constant 1 : i32
    %sub3A_94 = vector.broadcast %sub3A_93 : i32 to vector<16xi32>
    %sub3A_95 = arith.subi %add3A_14, %sub3A_94 : vector<16xi32>
    %mul3A_96 = arith.muli %add3A_14, %sub3A_95 : vector<16xi32>
    %shift_right_arithmetic3A_97 = arith.constant 1 : i32
    %shift_right_arithmetic3A_98 = vector.broadcast %shift_right_arithmetic3A_97 : i32 to vector<16xi32>
    %shift_right_arithmetic3A_99 = arith.shrsi %mul3A_96, %shift_right_arithmetic3A_98 : vector<16xi32>
    %sub3A_100 = arith.subi %mul3A_92, %shift_right_arithmetic3A_99 : vector<16xi32>
    %mul3A_101 = arith.constant 255 : i32
    %mul3A_102 = vector.broadcast %mul3A_101 : i32 to vector<16xi32>
    %mul3A_103 = arith.muli %add3A_17, %mul3A_102 : vector<16xi32>
    %sub3A_104 = arith.constant 1 : i32
    %sub3A_105 = vector.broadcast %sub3A_104 : i32 to vector<16xi32>
    %sub3A_106 = arith.subi %add3A_17, %sub3A_105 : vector<16xi32>
    %mul3A_107 = arith.muli %add3A_17, %sub3A_106 : vector<16xi32>
    %shift_right_arithmetic3A_108 = arith.constant 1 : i32
    %shift_right_arithmetic3A_109 = vector.broadcast %shift_right_arithmetic3A_108 : i32 to vector<16xi32>
    %shift_right_arithmetic3A_110 = arith.shrsi %mul3A_107, %shift_right_arithmetic3A_109 : vector<16xi32>
    %sub3A_111 = arith.subi %mul3A_103, %shift_right_arithmetic3A_110 : vector<16xi32>
    %mul3A_112 = arith.constant 255 : i32
    %mul3A_113 = vector.broadcast %mul3A_112 : i32 to vector<16xi32>
    %mul3A_114 = arith.muli %add3A_20, %mul3A_113 : vector<16xi32>
    %sub3A_115 = arith.constant 1 : i32
    %sub3A_116 = vector.broadcast %sub3A_115 : i32 to vector<16xi32>
    %sub3A_117 = arith.subi %add3A_20, %sub3A_116 : vector<16xi32>
    %mul3A_118 = arith.muli %add3A_20, %sub3A_117 : vector<16xi32>
    %shift_right_arithmetic3A_119 = arith.constant 1 : i32
    %shift_right_arithmetic3A_120 = vector.broadcast %shift_right_arithmetic3A_119 : i32 to vector<16xi32>
    %shift_right_arithmetic3A_121 = arith.shrsi %mul3A_118, %shift_right_arithmetic3A_120 : vector<16xi32>
    %sub3A_122 = arith.subi %mul3A_114, %shift_right_arithmetic3A_121 : vector<16xi32>
    %mul3A_123 = arith.constant 255 : i32
    %mul3A_124 = vector.broadcast %mul3A_123 : i32 to vector<16xi32>
    %mul3A_125 = arith.muli %add3A_23, %mul3A_124 : vector<16xi32>
    %sub3A_126 = arith.constant 1 : i32
    %sub3A_127 = vector.broadcast %sub3A_126 : i32 to vector<16xi32>
    %sub3A_128 = arith.subi %add3A_23, %sub3A_127 : vector<16xi32>
    %mul3A_129 = arith.muli %add3A_23, %sub3A_128 : vector<16xi32>
    %shift_right_arithmetic3A_130 = arith.constant 1 : i32
    %shift_right_arithmetic3A_131 = vector.broadcast %shift_right_arithmetic3A_130 : i32 to vector<16xi32>
    %shift_right_arithmetic3A_132 = arith.shrsi %mul3A_129, %shift_right_arithmetic3A_131 : vector<16xi32>
    %sub3A_133 = arith.subi %mul3A_125, %shift_right_arithmetic3A_132 : vector<16xi32>
    %mul3A_134 = arith.constant 255 : i32
    %mul3A_135 = vector.broadcast %mul3A_134 : i32 to vector<16xi32>
    %mul3A_136 = arith.muli %add3A_26, %mul3A_135 : vector<16xi32>
    %sub3A_137 = arith.constant 1 : i32
    %sub3A_138 = vector.broadcast %sub3A_137 : i32 to vector<16xi32>
    %sub3A_139 = arith.subi %add3A_26, %sub3A_138 : vector<16xi32>
    %mul3A_140 = arith.muli %add3A_26, %sub3A_139 : vector<16xi32>
    %shift_right_arithmetic3A_141 = arith.constant 1 : i32
    %shift_right_arithmetic3A_142 = vector.broadcast %shift_right_arithmetic3A_141 : i32 to vector<16xi32>
    %shift_right_arithmetic3A_143 = arith.shrsi %mul3A_140, %shift_right_arithmetic3A_142 : vector<16xi32>
    %sub3A_144 = arith.subi %mul3A_136, %shift_right_arithmetic3A_143 : vector<16xi32>
    %mul3A_145 = arith.constant 255 : i32
    %mul3A_146 = vector.broadcast %mul3A_145 : i32 to vector<16xi32>
    %mul3A_147 = arith.muli %add3A_29, %mul3A_146 : vector<16xi32>
    %sub3A_148 = arith.constant 1 : i32
    %sub3A_149 = vector.broadcast %sub3A_148 : i32 to vector<16xi32>
    %sub3A_150 = arith.subi %add3A_29, %sub3A_149 : vector<16xi32>
    %mul3A_151 = arith.muli %add3A_29, %sub3A_150 : vector<16xi32>
    %shift_right_arithmetic3A_152 = arith.constant 1 : i32
    %shift_right_arithmetic3A_153 = vector.broadcast %shift_right_arithmetic3A_152 : i32 to vector<16xi32>
    %shift_right_arithmetic3A_154 = arith.shrsi %mul3A_151, %shift_right_arithmetic3A_153 : vector<16xi32>
    %sub3A_155 = arith.subi %mul3A_147, %shift_right_arithmetic3A_154 : vector<16xi32>
    %mul3A_156 = arith.constant 255 : i32
    %mul3A_157 = vector.broadcast %mul3A_156 : i32 to vector<16xi32>
    %mul3A_158 = arith.muli %add3A_32, %mul3A_157 : vector<16xi32>
    %sub3A_159 = arith.constant 1 : i32
    %sub3A_160 = vector.broadcast %sub3A_159 : i32 to vector<16xi32>
    %sub3A_161 = arith.subi %add3A_32, %sub3A_160 : vector<16xi32>
    %mul3A_162 = arith.muli %add3A_32, %sub3A_161 : vector<16xi32>
    %shift_right_arithmetic3A_163 = arith.constant 1 : i32
    %shift_right_arithmetic3A_164 = vector.broadcast %shift_right_arithmetic3A_163 : i32 to vector<16xi32>
    %shift_right_arithmetic3A_165 = arith.shrsi %mul3A_162, %shift_right_arithmetic3A_164 : vector<16xi32>
    %sub3A_166 = arith.subi %mul3A_158, %shift_right_arithmetic3A_165 : vector<16xi32>
    %mul3A_167 = arith.constant 255 : i32
    %mul3A_168 = vector.broadcast %mul3A_167 : i32 to vector<16xi32>
    %mul3A_169 = arith.muli %add3A_35, %mul3A_168 : vector<16xi32>
    %sub3A_170 = arith.constant 1 : i32
    %sub3A_171 = vector.broadcast %sub3A_170 : i32 to vector<16xi32>
    %sub3A_172 = arith.subi %add3A_35, %sub3A_171 : vector<16xi32>
    %mul3A_173 = arith.muli %add3A_35, %sub3A_172 : vector<16xi32>
    %shift_right_arithmetic3A_174 = arith.constant 1 : i32
    %shift_right_arithmetic3A_175 = vector.broadcast %shift_right_arithmetic3A_174 : i32 to vector<16xi32>
    %shift_right_arithmetic3A_176 = arith.shrsi %mul3A_173, %shift_right_arithmetic3A_175 : vector<16xi32>
    %sub3A_177 = arith.subi %mul3A_169, %shift_right_arithmetic3A_176 : vector<16xi32>
    %mul3A_178 = arith.constant 255 : i32
    %mul3A_179 = vector.broadcast %mul3A_178 : i32 to vector<16xi32>
    %mul3A_180 = arith.muli %add3A_38, %mul3A_179 : vector<16xi32>
    %sub3A_181 = arith.constant 1 : i32
    %sub3A_182 = vector.broadcast %sub3A_181 : i32 to vector<16xi32>
    %sub3A_183 = arith.subi %add3A_38, %sub3A_182 : vector<16xi32>
    %mul3A_184 = arith.muli %add3A_38, %sub3A_183 : vector<16xi32>
    %shift_right_arithmetic3A_185 = arith.constant 1 : i32
    %shift_right_arithmetic3A_186 = vector.broadcast %shift_right_arithmetic3A_185 : i32 to vector<16xi32>
    %shift_right_arithmetic3A_187 = arith.shrsi %mul3A_184, %shift_right_arithmetic3A_186 : vector<16xi32>
    %sub3A_188 = arith.subi %mul3A_180, %shift_right_arithmetic3A_187 : vector<16xi32>
    %mul3A_189 = arith.constant 255 : i32
    %mul3A_190 = vector.broadcast %mul3A_189 : i32 to vector<16xi32>
    %mul3A_191 = arith.muli %add3A_41, %mul3A_190 : vector<16xi32>
    %sub3A_192 = arith.constant 1 : i32
    %sub3A_193 = vector.broadcast %sub3A_192 : i32 to vector<16xi32>
    %sub3A_194 = arith.subi %add3A_41, %sub3A_193 : vector<16xi32>
    %mul3A_195 = arith.muli %add3A_41, %sub3A_194 : vector<16xi32>
    %shift_right_arithmetic3A_196 = arith.constant 1 : i32
    %shift_right_arithmetic3A_197 = vector.broadcast %shift_right_arithmetic3A_196 : i32 to vector<16xi32>
    %shift_right_arithmetic3A_198 = arith.shrsi %mul3A_195, %shift_right_arithmetic3A_197 : vector<16xi32>
    %sub3A_199 = arith.subi %mul3A_191, %shift_right_arithmetic3A_198 : vector<16xi32>
    %mul3A_200 = arith.constant 255 : i32
    %mul3A_201 = vector.broadcast %mul3A_200 : i32 to vector<16xi32>
    %mul3A_202 = arith.muli %add3A_44, %mul3A_201 : vector<16xi32>
    %sub3A_203 = arith.constant 1 : i32
    %sub3A_204 = vector.broadcast %sub3A_203 : i32 to vector<16xi32>
    %sub3A_205 = arith.subi %add3A_44, %sub3A_204 : vector<16xi32>
    %mul3A_206 = arith.muli %add3A_44, %sub3A_205 : vector<16xi32>
    %shift_right_arithmetic3A_207 = arith.constant 1 : i32
    %shift_right_arithmetic3A_208 = vector.broadcast %shift_right_arithmetic3A_207 : i32 to vector<16xi32>
    %shift_right_arithmetic3A_209 = arith.shrsi %mul3A_206, %shift_right_arithmetic3A_208 : vector<16xi32>
    %sub3A_210 = arith.subi %mul3A_202, %shift_right_arithmetic3A_209 : vector<16xi32>
    %mul3A_211 = arith.constant 255 : i32
    %mul3A_212 = vector.broadcast %mul3A_211 : i32 to vector<16xi32>
    %mul3A_213 = arith.muli %add3A_47, %mul3A_212 : vector<16xi32>
    %sub3A_214 = arith.constant 1 : i32
    %sub3A_215 = vector.broadcast %sub3A_214 : i32 to vector<16xi32>
    %sub3A_216 = arith.subi %add3A_47, %sub3A_215 : vector<16xi32>
    %mul3A_217 = arith.muli %add3A_47, %sub3A_216 : vector<16xi32>
    %shift_right_arithmetic3A_218 = arith.constant 1 : i32
    %shift_right_arithmetic3A_219 = vector.broadcast %shift_right_arithmetic3A_218 : i32 to vector<16xi32>
    %shift_right_arithmetic3A_220 = arith.shrsi %mul3A_217, %shift_right_arithmetic3A_219 : vector<16xi32>
    %sub3A_221 = arith.subi %mul3A_213, %shift_right_arithmetic3A_220 : vector<16xi32>
    %parallel_loop3A = arith.constant 0 : i32
    %parallel_loop3A_222 = arith.constant 128 : i32
    %parallel_loop3A_223 = arith.constant 1 : i32
    scf.for %parallel_loop3A_232 = %parallel_loop3A to %parallel_loop3A_222 step %parallel_loop3A_223  : i32 {
      %parallel_loop3A_233 = arith.addi %mul3A_0, %parallel_loop3A_232 : i32
      %parallel_loop3A_234 = arith.constant 255 : i32
      %parallel_loop3A_235 = arith.muli %parallel_loop3A_233, %parallel_loop3A_234 : i32
      %parallel_loop3A_236 = arith.constant 1 : i32
      %parallel_loop3A_237 = arith.subi %parallel_loop3A_233, %parallel_loop3A_236 : i32
      %parallel_loop3A_238 = arith.muli %parallel_loop3A_233, %parallel_loop3A_237 : i32
      %parallel_loop3A_239 = arith.constant 1 : i32
      %parallel_loop3A_240 = arith.shrsi %parallel_loop3A_238, %parallel_loop3A_239 : i32
      %parallel_loop3A_241 = arith.subi %parallel_loop3A_235, %parallel_loop3A_240 : i32
      %parallel_loop3A_242 = arith.constant 256 : i32
      %parallel_loop3A_243 = arith.muli %parallel_loop3A_232, %parallel_loop3A_242 : i32
      %parallel_loop3A_244 = vector.broadcast %parallel_loop3A_233 : i32 to vector<16xi32>
      %parallel_loop3A_245 = arith.cmpi slt, %add3A_2, %parallel_loop3A_244 : vector<16xi32>
      %parallel_loop3A_246 = vector.broadcast %parallel_loop3A_233 : i32 to vector<16xi32>
      %parallel_loop3A_247 = arith.addi %sub3A_56, %parallel_loop3A_246 : vector<16xi32>
      %parallel_loop3A_248 = vector.broadcast %parallel_loop3A_241 : i32 to vector<16xi32>
      %parallel_loop3A_249 = arith.addi %add3A_2, %parallel_loop3A_248 : vector<16xi32>
      %parallel_loop3A_250 = arith.select %parallel_loop3A_245, %parallel_loop3A_247, %parallel_loop3A_249 : vector<16xi1>, vector<16xi32>
      %parallel_loop3A_251 = tpu.vector_load_idx %arg4[%parallel_loop3A_250] : memref<32896xf32, #tpu.memory_space<vmem>>[vector<16xi32>], vector<16xf32>,
      %parallel_loop3A_252 = arith.constant 0 : i32
      %parallel_loop3A_253 = arith.addi %parallel_loop3A_243, %parallel_loop3A_252 : i32
      %parallel_loop3A_254 = arith.index_cast %parallel_loop3A_253 : i32 to index
      %parallel_loop3A_255 = tpu.vector_load %arg5[%parallel_loop3A_254] {strides = array<i32>} : memref<32768xf32, #tpu.memory_space<vmem>>, vector<16xf32>,
      tpu.vector_store %arg5[%parallel_loop3A_254], %parallel_loop3A_251 {strides = array<i32>} : memref<32768xf32, #tpu.memory_space<vmem>>, vector<16xf32>,
      %parallel_loop3A_256 = vector.broadcast %parallel_loop3A_233 : i32 to vector<16xi32>
      %parallel_loop3A_257 = arith.cmpi slt, %add3A_5, %parallel_loop3A_256 : vector<16xi32>
      %parallel_loop3A_258 = vector.broadcast %parallel_loop3A_233 : i32 to vector<16xi32>
      %parallel_loop3A_259 = arith.addi %sub3A_67, %parallel_loop3A_258 : vector<16xi32>
      %parallel_loop3A_260 = vector.broadcast %parallel_loop3A_241 : i32 to vector<16xi32>
      %parallel_loop3A_261 = arith.addi %add3A_5, %parallel_loop3A_260 : vector<16xi32>
      %parallel_loop3A_262 = arith.select %parallel_loop3A_257, %parallel_loop3A_259, %parallel_loop3A_261 : vector<16xi1>, vector<16xi32>
      %parallel_loop3A_263 = tpu.vector_load_idx %arg4[%parallel_loop3A_262] : memref<32896xf32, #tpu.memory_space<vmem>>[vector<16xi32>], vector<16xf32>,
      %parallel_loop3A_264 = arith.constant 16 : i32
      %parallel_loop3A_265 = arith.addi %parallel_loop3A_243, %parallel_loop3A_264 : i32
      %parallel_loop3A_266 = arith.index_cast %parallel_loop3A_265 : i32 to index
      %parallel_loop3A_267 = tpu.vector_load %arg5[%parallel_loop3A_266] {strides = array<i32>} : memref<32768xf32, #tpu.memory_space<vmem>>, vector<16xf32>,
      tpu.vector_store %arg5[%parallel_loop3A_266], %parallel_loop3A_263 {strides = array<i32>} : memref<32768xf32, #tpu.memory_space<vmem>>, vector<16xf32>,
      %parallel_loop3A_268 = vector.broadcast %parallel_loop3A_233 : i32 to vector<16xi32>
      %parallel_loop3A_269 = arith.cmpi slt, %add3A_8, %parallel_loop3A_268 : vector<16xi32>
      %parallel_loop3A_270 = vector.broadcast %parallel_loop3A_233 : i32 to vector<16xi32>
      %parallel_loop3A_271 = arith.addi %sub3A_78, %parallel_loop3A_270 : vector<16xi32>
      %parallel_loop3A_272 = vector.broadcast %parallel_loop3A_241 : i32 to vector<16xi32>
      %parallel_loop3A_273 = arith.addi %add3A_8, %parallel_loop3A_272 : vector<16xi32>
      %parallel_loop3A_274 = arith.select %parallel_loop3A_269, %parallel_loop3A_271, %parallel_loop3A_273 : vector<16xi1>, vector<16xi32>
      %parallel_loop3A_275 = tpu.vector_load_idx %arg4[%parallel_loop3A_274] : memref<32896xf32, #tpu.memory_space<vmem>>[vector<16xi32>], vector<16xf32>,
      %parallel_loop3A_276 = arith.constant 32 : i32
      %parallel_loop3A_277 = arith.addi %parallel_loop3A_243, %parallel_loop3A_276 : i32
      %parallel_loop3A_278 = arith.index_cast %parallel_loop3A_277 : i32 to index
      %parallel_loop3A_279 = tpu.vector_load %arg5[%parallel_loop3A_278] {strides = array<i32>} : memref<32768xf32, #tpu.memory_space<vmem>>, vector<16xf32>,
      tpu.vector_store %arg5[%parallel_loop3A_278], %parallel_loop3A_275 {strides = array<i32>} : memref<32768xf32, #tpu.memory_space<vmem>>, vector<16xf32>,
      %parallel_loop3A_280 = vector.broadcast %parallel_loop3A_233 : i32 to vector<16xi32>
      %parallel_loop3A_281 = arith.cmpi slt, %add3A_11, %parallel_loop3A_280 : vector<16xi32>
      %parallel_loop3A_282 = vector.broadcast %parallel_loop3A_233 : i32 to vector<16xi32>
      %parallel_loop3A_283 = arith.addi %sub3A_89, %parallel_loop3A_282 : vector<16xi32>
      %parallel_loop3A_284 = vector.broadcast %parallel_loop3A_241 : i32 to vector<16xi32>
      %parallel_loop3A_285 = arith.addi %add3A_11, %parallel_loop3A_284 : vector<16xi32>
      %parallel_loop3A_286 = arith.select %parallel_loop3A_281, %parallel_loop3A_283, %parallel_loop3A_285 : vector<16xi1>, vector<16xi32>
      %parallel_loop3A_287 = tpu.vector_load_idx %arg4[%parallel_loop3A_286] : memref<32896xf32, #tpu.memory_space<vmem>>[vector<16xi32>], vector<16xf32>,
      %parallel_loop3A_288 = arith.constant 48 : i32
      %parallel_loop3A_289 = arith.addi %parallel_loop3A_243, %parallel_loop3A_288 : i32
      %parallel_loop3A_290 = arith.index_cast %parallel_loop3A_289 : i32 to index
      %parallel_loop3A_291 = tpu.vector_load %arg5[%parallel_loop3A_290] {strides = array<i32>} : memref<32768xf32, #tpu.memory_space<vmem>>, vector<16xf32>,
      tpu.vector_store %arg5[%parallel_loop3A_290], %parallel_loop3A_287 {strides = array<i32>} : memref<32768xf32, #tpu.memory_space<vmem>>, vector<16xf32>,
      %parallel_loop3A_292 = vector.broadcast %parallel_loop3A_233 : i32 to vector<16xi32>
      %parallel_loop3A_293 = arith.cmpi slt, %add3A_14, %parallel_loop3A_292 : vector<16xi32>
      %parallel_loop3A_294 = vector.broadcast %parallel_loop3A_233 : i32 to vector<16xi32>
      %parallel_loop3A_295 = arith.addi %sub3A_100, %parallel_loop3A_294 : vector<16xi32>
      %parallel_loop3A_296 = vector.broadcast %parallel_loop3A_241 : i32 to vector<16xi32>
      %parallel_loop3A_297 = arith.addi %add3A_14, %parallel_loop3A_296 : vector<16xi32>
      %parallel_loop3A_298 = arith.select %parallel_loop3A_293, %parallel_loop3A_295, %parallel_loop3A_297 : vector<16xi1>, vector<16xi32>
      %parallel_loop3A_299 = tpu.vector_load_idx %arg4[%parallel_loop3A_298] : memref<32896xf32, #tpu.memory_space<vmem>>[vector<16xi32>], vector<16xf32>,
      %parallel_loop3A_300 = arith.constant 64 : i32
      %parallel_loop3A_301 = arith.addi %parallel_loop3A_243, %parallel_loop3A_300 : i32
      %parallel_loop3A_302 = arith.index_cast %parallel_loop3A_301 : i32 to index
      %parallel_loop3A_303 = tpu.vector_load %arg5[%parallel_loop3A_302] {strides = array<i32>} : memref<32768xf32, #tpu.memory_space<vmem>>, vector<16xf32>,
      tpu.vector_store %arg5[%parallel_loop3A_302], %parallel_loop3A_299 {strides = array<i32>} : memref<32768xf32, #tpu.memory_space<vmem>>, vector<16xf32>,
      %parallel_loop3A_304 = vector.broadcast %parallel_loop3A_233 : i32 to vector<16xi32>
      %parallel_loop3A_305 = arith.cmpi slt, %add3A_17, %parallel_loop3A_304 : vector<16xi32>
      %parallel_loop3A_306 = vector.broadcast %parallel_loop3A_233 : i32 to vector<16xi32>
      %parallel_loop3A_307 = arith.addi %sub3A_111, %parallel_loop3A_306 : vector<16xi32>
      %parallel_loop3A_308 = vector.broadcast %parallel_loop3A_241 : i32 to vector<16xi32>
      %parallel_loop3A_309 = arith.addi %add3A_17, %parallel_loop3A_308 : vector<16xi32>
      %parallel_loop3A_310 = arith.select %parallel_loop3A_305, %parallel_loop3A_307, %parallel_loop3A_309 : vector<16xi1>, vector<16xi32>
      %parallel_loop3A_311 = tpu.vector_load_idx %arg4[%parallel_loop3A_310] : memref<32896xf32, #tpu.memory_space<vmem>>[vector<16xi32>], vector<16xf32>,
      %parallel_loop3A_312 = arith.constant 80 : i32
      %parallel_loop3A_313 = arith.addi %parallel_loop3A_243, %parallel_loop3A_312 : i32
      %parallel_loop3A_314 = arith.index_cast %parallel_loop3A_313 : i32 to index
      %parallel_loop3A_315 = tpu.vector_load %arg5[%parallel_loop3A_314] {strides = array<i32>} : memref<32768xf32, #tpu.memory_space<vmem>>, vector<16xf32>,
      tpu.vector_store %arg5[%parallel_loop3A_314], %parallel_loop3A_311 {strides = array<i32>} : memref<32768xf32, #tpu.memory_space<vmem>>, vector<16xf32>,
      %parallel_loop3A_316 = vector.broadcast %parallel_loop3A_233 : i32 to vector<16xi32>
      %parallel_loop3A_317 = arith.cmpi slt, %add3A_20, %parallel_loop3A_316 : vector<16xi32>
      %parallel_loop3A_318 = vector.broadcast %parallel_loop3A_233 : i32 to vector<16xi32>
      %parallel_loop3A_319 = arith.addi %sub3A_122, %parallel_loop3A_318 : vector<16xi32>
      %parallel_loop3A_320 = vector.broadcast %parallel_loop3A_241 : i32 to vector<16xi32>
      %parallel_loop3A_321 = arith.addi %add3A_20, %parallel_loop3A_320 : vector<16xi32>
      %parallel_loop3A_322 = arith.select %parallel_loop3A_317, %parallel_loop3A_319, %parallel_loop3A_321 : vector<16xi1>, vector<16xi32>
      %parallel_loop3A_323 = tpu.vector_load_idx %arg4[%parallel_loop3A_322] : memref<32896xf32, #tpu.memory_space<vmem>>[vector<16xi32>], vector<16xf32>,
      %parallel_loop3A_324 = arith.constant 96 : i32
      %parallel_loop3A_325 = arith.addi %parallel_loop3A_243, %parallel_loop3A_324 : i32
      %parallel_loop3A_326 = arith.index_cast %parallel_loop3A_325 : i32 to index
      %parallel_loop3A_327 = tpu.vector_load %arg5[%parallel_loop3A_326] {strides = array<i32>} : memref<32768xf32, #tpu.memory_space<vmem>>, vector<16xf32>,
      tpu.vector_store %arg5[%parallel_loop3A_326], %parallel_loop3A_323 {strides = array<i32>} : memref<32768xf32, #tpu.memory_space<vmem>>, vector<16xf32>,
      %parallel_loop3A_328 = vector.broadcast %parallel_loop3A_233 : i32 to vector<16xi32>
      %parallel_loop3A_329 = arith.cmpi slt, %add3A_23, %parallel_loop3A_328 : vector<16xi32>
      %parallel_loop3A_330 = vector.broadcast %parallel_loop3A_233 : i32 to vector<16xi32>
      %parallel_loop3A_331 = arith.addi %sub3A_133, %parallel_loop3A_330 : vector<16xi32>
      %parallel_loop3A_332 = vector.broadcast %parallel_loop3A_241 : i32 to vector<16xi32>
      %parallel_loop3A_333 = arith.addi %add3A_23, %parallel_loop3A_332 : vector<16xi32>
      %parallel_loop3A_334 = arith.select %parallel_loop3A_329, %parallel_loop3A_331, %parallel_loop3A_333 : vector<16xi1>, vector<16xi32>
      %parallel_loop3A_335 = tpu.vector_load_idx %arg4[%parallel_loop3A_334] : memref<32896xf32, #tpu.memory_space<vmem>>[vector<16xi32>], vector<16xf32>,
      %parallel_loop3A_336 = arith.constant 112 : i32
      %parallel_loop3A_337 = arith.addi %parallel_loop3A_243, %parallel_loop3A_336 : i32
      %parallel_loop3A_338 = arith.index_cast %parallel_loop3A_337 : i32 to index
      %parallel_loop3A_339 = tpu.vector_load %arg5[%parallel_loop3A_338] {strides = array<i32>} : memref<32768xf32, #tpu.memory_space<vmem>>, vector<16xf32>,
      tpu.vector_store %arg5[%parallel_loop3A_338], %parallel_loop3A_335 {strides = array<i32>} : memref<32768xf32, #tpu.memory_space<vmem>>, vector<16xf32>,
      %parallel_loop3A_340 = vector.broadcast %parallel_loop3A_233 : i32 to vector<16xi32>
      %parallel_loop3A_341 = arith.cmpi slt, %add3A_26, %parallel_loop3A_340 : vector<16xi32>
      %parallel_loop3A_342 = vector.broadcast %parallel_loop3A_233 : i32 to vector<16xi32>
      %parallel_loop3A_343 = arith.addi %sub3A_144, %parallel_loop3A_342 : vector<16xi32>
      %parallel_loop3A_344 = vector.broadcast %parallel_loop3A_241 : i32 to vector<16xi32>
      %parallel_loop3A_345 = arith.addi %add3A_26, %parallel_loop3A_344 : vector<16xi32>
      %parallel_loop3A_346 = arith.select %parallel_loop3A_341, %parallel_loop3A_343, %parallel_loop3A_345 : vector<16xi1>, vector<16xi32>
      %parallel_loop3A_347 = tpu.vector_load_idx %arg4[%parallel_loop3A_346] : memref<32896xf32, #tpu.memory_space<vmem>>[vector<16xi32>], vector<16xf32>,
      %parallel_loop3A_348 = arith.constant 128 : i32
      %parallel_loop3A_349 = arith.addi %parallel_loop3A_243, %parallel_loop3A_348 : i32
      %parallel_loop3A_350 = arith.index_cast %parallel_loop3A_349 : i32 to index
      %parallel_loop3A_351 = tpu.vector_load %arg5[%parallel_loop3A_350] {strides = array<i32>} : memref<32768xf32, #tpu.memory_space<vmem>>, vector<16xf32>,
      tpu.vector_store %arg5[%parallel_loop3A_350], %parallel_loop3A_347 {strides = array<i32>} : memref<32768xf32, #tpu.memory_space<vmem>>, vector<16xf32>,
      %parallel_loop3A_352 = vector.broadcast %parallel_loop3A_233 : i32 to vector<16xi32>
      %parallel_loop3A_353 = arith.cmpi slt, %add3A_29, %parallel_loop3A_352 : vector<16xi32>
      %parallel_loop3A_354 = vector.broadcast %parallel_loop3A_233 : i32 to vector<16xi32>
      %parallel_loop3A_355 = arith.addi %sub3A_155, %parallel_loop3A_354 : vector<16xi32>
      %parallel_loop3A_356 = vector.broadcast %parallel_loop3A_241 : i32 to vector<16xi32>
      %parallel_loop3A_357 = arith.addi %add3A_29, %parallel_loop3A_356 : vector<16xi32>
      %parallel_loop3A_358 = arith.select %parallel_loop3A_353, %parallel_loop3A_355, %parallel_loop3A_357 : vector<16xi1>, vector<16xi32>
      %parallel_loop3A_359 = tpu.vector_load_idx %arg4[%parallel_loop3A_358] : memref<32896xf32, #tpu.memory_space<vmem>>[vector<16xi32>], vector<16xf32>,
      %parallel_loop3A_360 = arith.constant 144 : i32
      %parallel_loop3A_361 = arith.addi %parallel_loop3A_243, %parallel_loop3A_360 : i32
      %parallel_loop3A_362 = arith.index_cast %parallel_loop3A_361 : i32 to index
      %parallel_loop3A_363 = tpu.vector_load %arg5[%parallel_loop3A_362] {strides = array<i32>} : memref<32768xf32, #tpu.memory_space<vmem>>, vector<16xf32>,
      tpu.vector_store %arg5[%parallel_loop3A_362], %parallel_loop3A_359 {strides = array<i32>} : memref<32768xf32, #tpu.memory_space<vmem>>, vector<16xf32>,
      %parallel_loop3A_364 = vector.broadcast %parallel_loop3A_233 : i32 to vector<16xi32>
      %parallel_loop3A_365 = arith.cmpi slt, %add3A_32, %parallel_loop3A_364 : vector<16xi32>
      %parallel_loop3A_366 = vector.broadcast %parallel_loop3A_233 : i32 to vector<16xi32>
      %parallel_loop3A_367 = arith.addi %sub3A_166, %parallel_loop3A_366 : vector<16xi32>
      %parallel_loop3A_368 = vector.broadcast %parallel_loop3A_241 : i32 to vector<16xi32>
      %parallel_loop3A_369 = arith.addi %add3A_32, %parallel_loop3A_368 : vector<16xi32>
      %parallel_loop3A_370 = arith.select %parallel_loop3A_365, %parallel_loop3A_367, %parallel_loop3A_369 : vector<16xi1>, vector<16xi32>
      %parallel_loop3A_371 = tpu.vector_load_idx %arg4[%parallel_loop3A_370] : memref<32896xf32, #tpu.memory_space<vmem>>[vector<16xi32>], vector<16xf32>,
      %parallel_loop3A_372 = arith.constant 160 : i32
      %parallel_loop3A_373 = arith.addi %parallel_loop3A_243, %parallel_loop3A_372 : i32
      %parallel_loop3A_374 = arith.index_cast %parallel_loop3A_373 : i32 to index
      %parallel_loop3A_375 = tpu.vector_load %arg5[%parallel_loop3A_374] {strides = array<i32>} : memref<32768xf32, #tpu.memory_space<vmem>>, vector<16xf32>,
      tpu.vector_store %arg5[%parallel_loop3A_374], %parallel_loop3A_371 {strides = array<i32>} : memref<32768xf32, #tpu.memory_space<vmem>>, vector<16xf32>,
      %parallel_loop3A_376 = vector.broadcast %parallel_loop3A_233 : i32 to vector<16xi32>
      %parallel_loop3A_377 = arith.cmpi slt, %add3A_35, %parallel_loop3A_376 : vector<16xi32>
      %parallel_loop3A_378 = vector.broadcast %parallel_loop3A_233 : i32 to vector<16xi32>
      %parallel_loop3A_379 = arith.addi %sub3A_177, %parallel_loop3A_378 : vector<16xi32>
      %parallel_loop3A_380 = vector.broadcast %parallel_loop3A_241 : i32 to vector<16xi32>
      %parallel_loop3A_381 = arith.addi %add3A_35, %parallel_loop3A_380 : vector<16xi32>
      %parallel_loop3A_382 = arith.select %parallel_loop3A_377, %parallel_loop3A_379, %parallel_loop3A_381 : vector<16xi1>, vector<16xi32>
      %parallel_loop3A_383 = tpu.vector_load_idx %arg4[%parallel_loop3A_382] : memref<32896xf32, #tpu.memory_space<vmem>>[vector<16xi32>], vector<16xf32>,
      %parallel_loop3A_384 = arith.constant 176 : i32
      %parallel_loop3A_385 = arith.addi %parallel_loop3A_243, %parallel_loop3A_384 : i32
      %parallel_loop3A_386 = arith.index_cast %parallel_loop3A_385 : i32 to index
      %parallel_loop3A_387 = tpu.vector_load %arg5[%parallel_loop3A_386] {strides = array<i32>} : memref<32768xf32, #tpu.memory_space<vmem>>, vector<16xf32>,
      tpu.vector_store %arg5[%parallel_loop3A_386], %parallel_loop3A_383 {strides = array<i32>} : memref<32768xf32, #tpu.memory_space<vmem>>, vector<16xf32>,
      %parallel_loop3A_388 = vector.broadcast %parallel_loop3A_233 : i32 to vector<16xi32>
      %parallel_loop3A_389 = arith.cmpi slt, %add3A_38, %parallel_loop3A_388 : vector<16xi32>
      %parallel_loop3A_390 = vector.broadcast %parallel_loop3A_233 : i32 to vector<16xi32>
      %parallel_loop3A_391 = arith.addi %sub3A_188, %parallel_loop3A_390 : vector<16xi32>
      %parallel_loop3A_392 = vector.broadcast %parallel_loop3A_241 : i32 to vector<16xi32>
      %parallel_loop3A_393 = arith.addi %add3A_38, %parallel_loop3A_392 : vector<16xi32>
      %parallel_loop3A_394 = arith.select %parallel_loop3A_389, %parallel_loop3A_391, %parallel_loop3A_393 : vector<16xi1>, vector<16xi32>
      %parallel_loop3A_395 = tpu.vector_load_idx %arg4[%parallel_loop3A_394] : memref<32896xf32, #tpu.memory_space<vmem>>[vector<16xi32>], vector<16xf32>,
      %parallel_loop3A_396 = arith.constant 192 : i32
      %parallel_loop3A_397 = arith.addi %parallel_loop3A_243, %parallel_loop3A_396 : i32
      %parallel_loop3A_398 = arith.index_cast %parallel_loop3A_397 : i32 to index
      %parallel_loop3A_399 = tpu.vector_load %arg5[%parallel_loop3A_398] {strides = array<i32>} : memref<32768xf32, #tpu.memory_space<vmem>>, vector<16xf32>,
      tpu.vector_store %arg5[%parallel_loop3A_398], %parallel_loop3A_395 {strides = array<i32>} : memref<32768xf32, #tpu.memory_space<vmem>>, vector<16xf32>,
      %parallel_loop3A_400 = vector.broadcast %parallel_loop3A_233 : i32 to vector<16xi32>
      %parallel_loop3A_401 = arith.cmpi slt, %add3A_41, %parallel_loop3A_400 : vector<16xi32>
      %parallel_loop3A_402 = vector.broadcast %parallel_loop3A_233 : i32 to vector<16xi32>
      %parallel_loop3A_403 = arith.addi %sub3A_199, %parallel_loop3A_402 : vector<16xi32>
      %parallel_loop3A_404 = vector.broadcast %parallel_loop3A_241 : i32 to vector<16xi32>
      %parallel_loop3A_405 = arith.addi %add3A_41, %parallel_loop3A_404 : vector<16xi32>
      %parallel_loop3A_406 = arith.select %parallel_loop3A_401, %parallel_loop3A_403, %parallel_loop3A_405 : vector<16xi1>, vector<16xi32>
      %parallel_loop3A_407 = tpu.vector_load_idx %arg4[%parallel_loop3A_406] : memref<32896xf32, #tpu.memory_space<vmem>>[vector<16xi32>], vector<16xf32>,
      %parallel_loop3A_408 = arith.constant 208 : i32
      %parallel_loop3A_409 = arith.addi %parallel_loop3A_243, %parallel_loop3A_408 : i32
      %parallel_loop3A_410 = arith.index_cast %parallel_loop3A_409 : i32 to index
      %parallel_loop3A_411 = tpu.vector_load %arg5[%parallel_loop3A_410] {strides = array<i32>} : memref<32768xf32, #tpu.memory_space<vmem>>, vector<16xf32>,
      tpu.vector_store %arg5[%parallel_loop3A_410], %parallel_loop3A_407 {strides = array<i32>} : memref<32768xf32, #tpu.memory_space<vmem>>, vector<16xf32>,
      %parallel_loop3A_412 = vector.broadcast %parallel_loop3A_233 : i32 to vector<16xi32>
      %parallel_loop3A_413 = arith.cmpi slt, %add3A_44, %parallel_loop3A_412 : vector<16xi32>
      %parallel_loop3A_414 = vector.broadcast %parallel_loop3A_233 : i32 to vector<16xi32>
      %parallel_loop3A_415 = arith.addi %sub3A_210, %parallel_loop3A_414 : vector<16xi32>
      %parallel_loop3A_416 = vector.broadcast %parallel_loop3A_241 : i32 to vector<16xi32>
      %parallel_loop3A_417 = arith.addi %add3A_44, %parallel_loop3A_416 : vector<16xi32>
      %parallel_loop3A_418 = arith.select %parallel_loop3A_413, %parallel_loop3A_415, %parallel_loop3A_417 : vector<16xi1>, vector<16xi32>
      %parallel_loop3A_419 = tpu.vector_load_idx %arg4[%parallel_loop3A_418] : memref<32896xf32, #tpu.memory_space<vmem>>[vector<16xi32>], vector<16xf32>,
      %parallel_loop3A_420 = arith.constant 224 : i32
      %parallel_loop3A_421 = arith.addi %parallel_loop3A_243, %parallel_loop3A_420 : i32
      %parallel_loop3A_422 = arith.index_cast %parallel_loop3A_421 : i32 to index
      %parallel_loop3A_423 = tpu.vector_load %arg5[%parallel_loop3A_422] {strides = array<i32>} : memref<32768xf32, #tpu.memory_space<vmem>>, vector<16xf32>,
      tpu.vector_store %arg5[%parallel_loop3A_422], %parallel_loop3A_419 {strides = array<i32>} : memref<32768xf32, #tpu.memory_space<vmem>>, vector<16xf32>,
      %parallel_loop3A_424 = vector.broadcast %parallel_loop3A_233 : i32 to vector<16xi32>
      %parallel_loop3A_425 = arith.cmpi slt, %add3A_47, %parallel_loop3A_424 : vector<16xi32>
      %parallel_loop3A_426 = vector.broadcast %parallel_loop3A_233 : i32 to vector<16xi32>
      %parallel_loop3A_427 = arith.addi %sub3A_221, %parallel_loop3A_426 : vector<16xi32>
      %parallel_loop3A_428 = vector.broadcast %parallel_loop3A_241 : i32 to vector<16xi32>
      %parallel_loop3A_429 = arith.addi %add3A_47, %parallel_loop3A_428 : vector<16xi32>
      %parallel_loop3A_430 = arith.select %parallel_loop3A_425, %parallel_loop3A_427, %parallel_loop3A_429 : vector<16xi1>, vector<16xi32>
      %parallel_loop3A_431 = tpu.vector_load_idx %arg4[%parallel_loop3A_430] : memref<32896xf32, #tpu.memory_space<vmem>>[vector<16xi32>], vector<16xf32>,
      %parallel_loop3A_432 = arith.constant 240 : i32
      %parallel_loop3A_433 = arith.addi %parallel_loop3A_243, %parallel_loop3A_432 : i32
      %parallel_loop3A_434 = arith.index_cast %parallel_loop3A_433 : i32 to index
      %parallel_loop3A_435 = tpu.vector_load %arg5[%parallel_loop3A_434] {strides = array<i32>} : memref<32768xf32, #tpu.memory_space<vmem>>, vector<16xf32>,
      tpu.vector_store %arg5[%parallel_loop3A_434], %parallel_loop3A_431 {strides = array<i32>} : memref<32768xf32, #tpu.memory_space<vmem>>, vector<16xf32>,
    } {sc.loop_unroll_factor = 3 : i64, sc.parallel_access}
    %mul3A_224 = arith.constant 32768 : i32
    %mul3A_225 = arith.muli %arg0, %mul3A_224 : i32
    %dma_start3A = tpu.memref_slice %arg3[%arg1, %mul3A_225] : memref<16x65536xf32, #tpu.memory_space<hbm>> -> memref<1x32768xf32, #tpu.memory_space<hbm>>
    %dma_start3A_226 = tpu.memref_squeeze %dma_start3A : memref<1x32768xf32, #tpu.memory_space<hbm>> -> memref<32768xf32, #tpu.memory_space<hbm>>
    %dma_start3A_227 = tpu.memref_slice %arg3[%arg1, %mul3A_225] : memref<16x65536xf32, #tpu.memory_space<hbm>> -> memref<1x32768xf32, #tpu.memory_space<hbm>>
    %dma_start3A_228 = tpu.memref_squeeze %dma_start3A_227 : memref<1x32768xf32, #tpu.memory_space<hbm>> -> memref<32768xf32, #tpu.memory_space<hbm>>
    tpu.enqueue_dma source(%arg5 : memref<32768xf32, #tpu.memory_space<vmem>>) target(%dma_start3A_228 : memref<32768xf32, #tpu.memory_space<hbm>>) target_semaphore(%arg6 : memref<!tpu.dma_semaphore, #tpu.memory_space<semaphore_mem>>)
    %dma_wait3A = tpu.memref_slice %arg3[%arg1, %mul3A_225] : memref<16x65536xf32, #tpu.memory_space<hbm>> -> memref<1x32768xf32, #tpu.memory_space<hbm>>
    %dma_wait3A_229 = tpu.memref_squeeze %dma_wait3A : memref<1x32768xf32, #tpu.memory_space<hbm>> -> memref<32768xf32, #tpu.memory_space<hbm>>
    %dma_wait3A_230 = tpu.memref_slice %arg3[%arg1, %mul3A_225] : memref<16x65536xf32, #tpu.memory_space<hbm>> -> memref<1x32768xf32, #tpu.memory_space<hbm>>
    %dma_wait3A_231 = tpu.memref_squeeze %dma_wait3A_230 : memref<1x32768xf32, #tpu.memory_space<hbm>> -> memref<32768xf32, #tpu.memory_space<hbm>>
    tpu.wait_dma2 semaphore(%arg6 : memref<!tpu.dma_semaphore, #tpu.memory_space<semaphore_mem>>) src(%arg5 : memref<32768xf32, #tpu.memory_space<vmem>>) dst(%dma_wait3A_231 : memref<32768xf32, #tpu.memory_space<hbm>>)
    return
  }
}

module attributes {stable_mosaic.version = 14 : i64} {
  func.func @_prep_body(%arg0: memref<17xi32, #tpu.memory_space<smem>>, %arg1: memref<4096x128xf32, #tpu.memory_space<vmem>>, %arg2: memref<128x2xf32, #tpu.memory_space<vmem>>, %arg3: memref<1x2xf32, #tpu.memory_space<vmem>>, %arg4: memref<1x256xf32, #tpu.memory_space<vmem>>, %arg5: memref<256x1024xf32, #tpu.memory_space<vmem>>, %arg6: memref<1x1024xf32, #tpu.memory_space<vmem>>, %arg7: memref<1024x1024xf32, #tpu.memory_space<vmem>>, %arg8: memref<1x1024xf32, #tpu.memory_space<vmem>>, %arg9: memref<1024x1024xf32, #tpu.memory_space<vmem>>, %arg10: memref<1x1024xf32, #tpu.memory_space<vmem>>, %arg11: memref<16x1024xf32, #tpu.memory_space<vmem>>, %arg12: memref<16x256xf32, #tpu.memory_space<vmem>>, %arg13: memref<4096x2xf32, #tpu.memory_space<vmem>>, %arg14: memref<16x256xf32, #tpu.memory_space<vmem>>) attributes {dimension_semantics = [], scalar_prefetch = 0 : i64, scratch_operands = 2 : i64, tpu.core_type = #tpu.core_type<tc>} {
    %get3A = arith.constant 0 : index
    %get3A_0 = arith.constant 0 : index
    %get3A_1 = vector.load %arg1[%get3A, %get3A_0] : memref<4096x128xf32, #tpu.memory_space<vmem>>, vector<4096x128xf32>
    %get3A_2 = arith.constant 0 : index
    %get3A_3 = arith.constant 0 : index
    %get3A_4 = vector.load %arg2[%get3A_2, %get3A_3] : memref<128x2xf32, #tpu.memory_space<vmem>>, vector<128x2xf32>
    %dot_general3A = arith.constant dense<0.000000e+00> : vector<4096x2xf32>
    %dot_general3A_5 = tpu.matmul %get3A_1, %get3A_4, %dot_general3A {dimension_numbers = #tpu.dot_dimension_numbers<[1], [0], [0], [1], [0, 0, 1, 1], [], []>, transpose_lhs_hint = false} : vector<4096x128xf32>, vector<128x2xf32>, vector<4096x2xf32> -> vector<4096x2xf32>
    %get3A_6 = arith.constant 0 : index
    %get3A_7 = arith.constant 0 : index
    %get3A_8 = vector.load %arg3[%get3A_6, %get3A_7] : memref<1x2xf32, #tpu.memory_space<vmem>>, vector<1x2xf32>
    %add3A = vector.broadcast %get3A_8 : vector<1x2xf32> to vector<4096x2xf32>
    %add3A_9 = arith.addf %dot_general3A_5, %add3A : vector<4096x2xf32>
    %swap3A = arith.constant 0 : index
    %swap3A_10 = arith.constant 0 : index
    %swap3A_11 = vector.load %arg13[%swap3A, %swap3A_10] : memref<4096x2xf32, #tpu.memory_space<vmem>>, vector<4096x2xf32>
    tpu.vector_store %arg13[%swap3A, %swap3A_10], %add3A_9 {strides = array<i32>} : memref<4096x2xf32, #tpu.memory_space<vmem>>, vector<4096x2xf32>,
    %get3A_12 = arith.constant 0 : index
    %get3A_13 = arith.constant 0 : index
    %get3A_14 = vector.load %arg4[%get3A_12, %get3A_13] : memref<1x256xf32, #tpu.memory_space<vmem>>, vector<1x256xf32>
    %scan3A = arith.constant 0 : i32
    %scan3A_15 = arith.constant 16 : i32
    %scan3A_16 = arith.addi %scan3A, %scan3A_15 : i32
    %scan3A_17 = arith.constant 1 : i32
    scf.for %scan3A_75 = %scan3A to %scan3A_16 step %scan3A_17  : i32 {
      %get3A_76 = arith.index_cast %scan3A_75 : i32 to index
      %get3A_77 = memref.load %arg0[%get3A_76] : memref<17xi32, #tpu.memory_space<smem>>
      %get3A_78 = arith.index_cast %get3A_77 : i32 to index
      %get3A_79 = arith.constant 0 : index
      %get3A_80 = vector.load %arg13[%get3A_78, %get3A_79] : memref<4096x2xf32, #tpu.memory_space<vmem>>, vector<256x2xf32>
      %reduce_min3A = arith.constant dense<0x7F800000> : vector<2xf32>
      %reduce_min3A_81 = vector.multi_reduction <minimumf>, %get3A_80, %reduce_min3A [0] : vector<256x2xf32> to vector<2xf32>
      %broadcast_in_dim3A = vector.shape_cast %reduce_min3A_81 : vector<2xf32> to vector<1x2xf32>
      %reduce_max3A = arith.constant dense<0xFF800000> : vector<2xf32>
      %reduce_max3A_82 = vector.multi_reduction <maximumf>, %get3A_80, %reduce_max3A [0] : vector<256x2xf32> to vector<2xf32>
      %broadcast_in_dim3A_83 = vector.shape_cast %reduce_max3A_82 : vector<2xf32> to vector<1x2xf32>
      %sub3A_84 = vector.broadcast %broadcast_in_dim3A : vector<1x2xf32> to vector<256x2xf32>
      %sub3A_85 = arith.subf %get3A_80, %sub3A_84 : vector<256x2xf32>
      %mul3A = arith.constant 2.000000e+00 : f32
      %mul3A_86 = vector.broadcast %mul3A : f32 to vector<256x2xf32>
      %mul3A_87 = arith.mulf %sub3A_85, %mul3A_86 : vector<256x2xf32>
      %sub3A_88 = arith.subf %broadcast_in_dim3A_83, %broadcast_in_dim3A : vector<1x2xf32>
      %div3A = vector.broadcast %sub3A_88 : vector<1x2xf32> to vector<256x2xf32>
      %div3A_89 = arith.divf %mul3A_87, %div3A : vector<256x2xf32>
      %sub3A_90 = arith.constant 1.000000e+00 : f32
      %sub3A_91 = vector.broadcast %sub3A_90 : f32 to vector<256x2xf32>
      %sub3A_92 = arith.subf %div3A_89, %sub3A_91 : vector<256x2xf32>
      %slice3A = vector.extract_strided_slice %sub3A_92 {offsets = [0, 0], sizes = [256, 1], strides = [1, 1]} : vector<256x2xf32> to vector<256x1xf32>
      %sub3A_93 = vector.broadcast %slice3A : vector<256x1xf32> to vector<256x256xf32>
      %sub3A_94 = vector.broadcast %get3A_14 : vector<1x256xf32> to vector<256x256xf32>
      %sub3A_95 = arith.subf %sub3A_93, %sub3A_94 : vector<256x256xf32>
      %slice3A_96 = vector.extract_strided_slice %sub3A_92 {offsets = [0, 1], sizes = [256, 1], strides = [1, 1]} : vector<256x2xf32> to vector<256x1xf32>
      %sub3A_97 = vector.broadcast %slice3A_96 : vector<256x1xf32> to vector<256x256xf32>
      %sub3A_98 = vector.broadcast %get3A_14 : vector<1x256xf32> to vector<256x256xf32>
      %sub3A_99 = arith.subf %sub3A_97, %sub3A_98 : vector<256x256xf32>
      %mul3A_100 = arith.mulf %sub3A_95, %sub3A_95 : vector<256x256xf32>
      %mul3A_101 = arith.constant -3.276800e+04 : f32
      %mul3A_102 = vector.broadcast %mul3A_101 : f32 to vector<256x256xf32>
      %mul3A_103 = arith.mulf %mul3A_100, %mul3A_102 : vector<256x256xf32>
      %exp3A_104 = math.exp %mul3A_103 : vector<256x256xf32>
      %reduce_sum3A = arith.constant dense<0.000000e+00> : vector<256xf32>
      %reduce_sum3A_105 = vector.multi_reduction <add>, %exp3A_104, %reduce_sum3A [0] : vector<256x256xf32> to vector<256xf32>
      %broadcast_in_dim3A_106 = vector.shape_cast %reduce_sum3A_105 : vector<256xf32> to vector<1x256xf32>
      %mul3A_107 = arith.mulf %sub3A_99, %sub3A_99 : vector<256x256xf32>
      %mul3A_108 = arith.constant -3.276800e+04 : f32
      %mul3A_109 = vector.broadcast %mul3A_108 : f32 to vector<256x256xf32>
      %mul3A_110 = arith.mulf %mul3A_107, %mul3A_109 : vector<256x256xf32>
      %exp3A_111 = math.exp %mul3A_110 : vector<256x256xf32>
      %reduce_sum3A_112 = arith.constant dense<0.000000e+00> : vector<256xf32>
      %reduce_sum3A_113 = vector.multi_reduction <add>, %exp3A_111, %reduce_sum3A_112 [0] : vector<256x256xf32> to vector<256xf32>
      %broadcast_in_dim3A_114 = vector.shape_cast %reduce_sum3A_113 : vector<256xf32> to vector<1x256xf32>
      %swap3A_115 = arith.index_cast %scan3A_75 : i32 to index
      %swap3A_116 = arith.constant 0 : index
      %swap3A_117 = vector.load %arg14[%swap3A_115, %swap3A_116] : memref<16x256xf32, #tpu.memory_space<vmem>>, vector<1x256xf32>
      tpu.vector_store %arg14[%swap3A_115, %swap3A_116], %broadcast_in_dim3A_106 {strides = array<i32>} : memref<16x256xf32, #tpu.memory_space<vmem>>, vector<1x256xf32>,
      %swap3A_118 = arith.index_cast %scan3A_75 : i32 to index
      %swap3A_119 = arith.constant 0 : index
      %swap3A_120 = vector.load %arg12[%swap3A_118, %swap3A_119] : memref<16x256xf32, #tpu.memory_space<vmem>>, vector<1x256xf32>
      tpu.vector_store %arg12[%swap3A_118, %swap3A_119], %broadcast_in_dim3A_114 {strides = array<i32>} : memref<16x256xf32, #tpu.memory_space<vmem>>, vector<1x256xf32>,
    }
    %scan3A_18 = arith.constant 16 : i32
    %get3A_19 = arith.constant 0 : index
    %get3A_20 = arith.constant 0 : index
    %get3A_21 = vector.load %arg14[%get3A_19, %get3A_20] : memref<16x256xf32, #tpu.memory_space<vmem>>, vector<16x256xf32>
    %get3A_22 = arith.constant 0 : index
    %get3A_23 = arith.constant 0 : index
    %get3A_24 = vector.load %arg5[%get3A_22, %get3A_23] : memref<256x1024xf32, #tpu.memory_space<vmem>>, vector<256x1024xf32>
    %dot_general3A_25 = arith.constant dense<0.000000e+00> : vector<16x1024xf32>
    %dot_general3A_26 = tpu.matmul %get3A_21, %get3A_24, %dot_general3A_25 {dimension_numbers = #tpu.dot_dimension_numbers<[1], [0], [0], [1], [0, 0, 1, 1], [], []>, transpose_lhs_hint = false} : vector<16x256xf32>, vector<256x1024xf32>, vector<16x1024xf32> -> vector<16x1024xf32>
    %get3A_27 = arith.constant 0 : index
    %get3A_28 = arith.constant 0 : index
    %get3A_29 = vector.load %arg6[%get3A_27, %get3A_28] : memref<1x1024xf32, #tpu.memory_space<vmem>>, vector<1x1024xf32>
    %add3A_30 = vector.broadcast %get3A_29 : vector<1x1024xf32> to vector<16x1024xf32>
    %add3A_31 = arith.addf %dot_general3A_26, %add3A_30 : vector<16x1024xf32>
    %gt3A = arith.constant 0.000000e+00 : f32
    %gt3A_32 = vector.broadcast %gt3A : f32 to vector<16x1024xf32>
    %gt3A_33 = arith.cmpf ogt, %add3A_31, %gt3A_32 : vector<16x1024xf32>
    %exp3A = math.exp %add3A_31 : vector<16x1024xf32>
    %sub3A = arith.constant 1.000000e+00 : f32
    %sub3A_34 = vector.broadcast %sub3A : f32 to vector<16x1024xf32>
    %sub3A_35 = arith.subf %exp3A, %sub3A_34 : vector<16x1024xf32>
    %select_n3A = arith.select %gt3A_33, %add3A_31, %sub3A_35 : vector<16x1024xi1>, vector<16x1024xf32>
    %get3A_36 = arith.constant 0 : index
    %get3A_37 = arith.constant 0 : index
    %get3A_38 = vector.load %arg7[%get3A_36, %get3A_37] : memref<1024x1024xf32, #tpu.memory_space<vmem>>, vector<1024x1024xf32>
    %dot_general3A_39 = arith.constant dense<0.000000e+00> : vector<16x1024xf32>
    %dot_general3A_40 = tpu.matmul %select_n3A, %get3A_38, %dot_general3A_39 {dimension_numbers = #tpu.dot_dimension_numbers<[1], [0], [0], [1], [0, 0, 1, 1], [], []>, transpose_lhs_hint = false} : vector<16x1024xf32>, vector<1024x1024xf32>, vector<16x1024xf32> -> vector<16x1024xf32>
    %get3A_41 = arith.constant 0 : index
    %get3A_42 = arith.constant 0 : index
    %get3A_43 = vector.load %arg8[%get3A_41, %get3A_42] : memref<1x1024xf32, #tpu.memory_space<vmem>>, vector<1x1024xf32>
    %add3A_44 = vector.broadcast %get3A_43 : vector<1x1024xf32> to vector<16x1024xf32>
    %add3A_45 = arith.addf %dot_general3A_40, %add3A_44 : vector<16x1024xf32>
    %gt3A_46 = arith.constant 0.000000e+00 : f32
    %gt3A_47 = vector.broadcast %gt3A_46 : f32 to vector<16x1024xf32>
    %gt3A_48 = arith.cmpf ogt, %add3A_45, %gt3A_47 : vector<16x1024xf32>
    %exp3A_49 = math.exp %add3A_45 : vector<16x1024xf32>
    %sub3A_50 = arith.constant 1.000000e+00 : f32
    %sub3A_51 = vector.broadcast %sub3A_50 : f32 to vector<16x1024xf32>
    %sub3A_52 = arith.subf %exp3A_49, %sub3A_51 : vector<16x1024xf32>
    %select_n3A_53 = arith.select %gt3A_48, %add3A_45, %sub3A_52 : vector<16x1024xi1>, vector<16x1024xf32>
    %get3A_54 = arith.constant 0 : index
    %get3A_55 = arith.constant 0 : index
    %get3A_56 = vector.load %arg9[%get3A_54, %get3A_55] : memref<1024x1024xf32, #tpu.memory_space<vmem>>, vector<1024x1024xf32>
    %dot_general3A_57 = arith.constant dense<0.000000e+00> : vector<16x1024xf32>
    %dot_general3A_58 = tpu.matmul %select_n3A_53, %get3A_56, %dot_general3A_57 {dimension_numbers = #tpu.dot_dimension_numbers<[1], [0], [0], [1], [0, 0, 1, 1], [], []>, transpose_lhs_hint = false} : vector<16x1024xf32>, vector<1024x1024xf32>, vector<16x1024xf32> -> vector<16x1024xf32>
    %get3A_59 = arith.constant 0 : index
    %get3A_60 = arith.constant 0 : index
    %get3A_61 = vector.load %arg10[%get3A_59, %get3A_60] : memref<1x1024xf32, #tpu.memory_space<vmem>>, vector<1x1024xf32>
    %add3A_62 = vector.broadcast %get3A_61 : vector<1x1024xf32> to vector<16x1024xf32>
    %add3A_63 = arith.addf %dot_general3A_58, %add3A_62 : vector<16x1024xf32>
    %gt3A_64 = arith.constant 0.000000e+00 : f32
    %gt3A_65 = vector.broadcast %gt3A_64 : f32 to vector<16x1024xf32>
    %gt3A_66 = arith.cmpf ogt, %add3A_63, %gt3A_65 : vector<16x1024xf32>
    %exp3A_67 = math.exp %add3A_63 : vector<16x1024xf32>
    %sub3A_68 = arith.constant 1.000000e+00 : f32
    %sub3A_69 = vector.broadcast %sub3A_68 : f32 to vector<16x1024xf32>
    %sub3A_70 = arith.subf %exp3A_67, %sub3A_69 : vector<16x1024xf32>
    %select_n3A_71 = arith.select %gt3A_66, %add3A_63, %sub3A_70 : vector<16x1024xi1>, vector<16x1024xf32>
    %swap3A_72 = arith.constant 0 : index
    %swap3A_73 = arith.constant 0 : index
    %swap3A_74 = vector.load %arg11[%swap3A_72, %swap3A_73] : memref<16x1024xf32, #tpu.memory_space<vmem>>, vector<16x1024xf32>
    tpu.vector_store %arg11[%swap3A_72, %swap3A_73], %select_n3A_71 {strides = array<i32>} : memref<16x1024xf32, #tpu.memory_space<vmem>>, vector<16x1024xf32>,
    return
  }
}

module attributes {stable_mosaic.version = 14 : i64} {
  func.func @_wide_body(%arg0: i32, %arg1: memref<16x1024xf32, #tpu.memory_space<vmem>>, %arg2: memref<1024x2048xf32, #tpu.memory_space<vmem>>, %arg3: memref<1x2048xf32, #tpu.memory_space<vmem>>, %arg4: memref<16x2048xf32, #tpu.memory_space<vmem>>) attributes {dimension_semantics = [#tpu.dimension_semantics<arbitrary>], iteration_bounds = array<i64: 17>, scalar_prefetch = 0 : i64, scratch_operands = 0 : i64, tpu.core_type = #tpu.core_type<tc>, window_params = [{pipeline_mode = #tpu.pipeline_mode<synchronous>, transform_indices = @transform_0, window_bounds = array<i64: 16, 1024>}, {transform_indices = @transform_1, window_bounds = array<i64: 1024, 2048>}, {transform_indices = @transform_2, window_bounds = array<i64: 1, 2048>}, {transform_indices = @transform_3, window_bounds = array<i64: 16, 2048>}]} {
    %get3A = arith.constant 0 : index
    %get3A_0 = arith.constant 0 : index
    %get3A_1 = vector.load %arg1[%get3A, %get3A_0] : memref<16x1024xf32, #tpu.memory_space<vmem>>, vector<16x1024xf32>
    %get3A_2 = arith.constant 0 : index
    %get3A_3 = arith.constant 0 : index
    %get3A_4 = vector.load %arg2[%get3A_2, %get3A_3] : memref<1024x2048xf32, #tpu.memory_space<vmem>>, vector<1024x2048xf32>
    %dot_general3A = arith.constant dense<0.000000e+00> : vector<16x2048xf32>
    %dot_general3A_5 = tpu.matmul %get3A_1, %get3A_4, %dot_general3A {dimension_numbers = #tpu.dot_dimension_numbers<[1], [0], [0], [1], [0, 0, 1, 1], [], []>, transpose_lhs_hint = false} : vector<16x1024xf32>, vector<1024x2048xf32>, vector<16x2048xf32> -> vector<16x2048xf32>
    %get3A_6 = arith.constant 0 : index
    %get3A_7 = arith.constant 0 : index
    %get3A_8 = vector.load %arg3[%get3A_6, %get3A_7] : memref<1x2048xf32, #tpu.memory_space<vmem>>, vector<1x2048xf32>
    %add3A = vector.broadcast %get3A_8 : vector<1x2048xf32> to vector<16x2048xf32>
    %add3A_9 = arith.addf %dot_general3A_5, %add3A : vector<16x2048xf32>
    %swap3A = arith.constant 0 : index
    %swap3A_10 = arith.constant 0 : index
    %swap3A_11 = vector.load %arg4[%swap3A, %swap3A_10] : memref<16x2048xf32, #tpu.memory_space<vmem>>, vector<16x2048xf32>
    tpu.vector_store %arg4[%swap3A, %swap3A_10], %add3A_9 {strides = array<i32>} : memref<16x2048xf32, #tpu.memory_space<vmem>>, vector<16x2048xf32>,
    return
  }
  func.func @transform_0(%arg0: i32) -> (i32, i32) {
    %c0_i32 = arith.constant 0 : i32
    %c0_i32_0 = arith.constant 0 : i32
    %c0_i32_1 = arith.constant 0 : i32
    return %c0_i32, %c0_i32_0 : i32, i32
  }
  func.func @transform_1(%arg0: i32) -> (i32, i32) {
    %c0_i32 = arith.constant 0 : i32
    %c0_i32_0 = arith.constant 0 : i32
    return %c0_i32, %arg0 : i32, i32
  }
  func.func @transform_2(%arg0: i32) -> (i32, i32) {
    %c0_i32 = arith.constant 0 : i32
    %c0_i32_0 = arith.constant 0 : i32
    return %c0_i32, %arg0 : i32, i32
  }
  func.func @transform_3(%arg0: i32) -> (i32, i32) {
    %c0_i32 = arith.constant 0 : i32
    %c0_i32_0 = arith.constant 0 : i32
    return %c0_i32, %arg0 : i32, i32
  }
}

module attributes {stable_mosaic.version = 14 : i64} {
  func.func @_atoms_body(%arg0: memref<16x256xf32, #tpu.memory_space<vmem>>, %arg1: memref<256x512xf32, #tpu.memory_space<vmem>>, %arg2: memref<1x512xf32, #tpu.memory_space<vmem>>, %arg3: memref<512x512xf32, #tpu.memory_space<vmem>>, %arg4: memref<1x512xf32, #tpu.memory_space<vmem>>, %arg5: memref<512x512xf32, #tpu.memory_space<vmem>>, %arg6: memref<1x512xf32, #tpu.memory_space<vmem>>, %arg7: memref<512x2816xf32, #tpu.memory_space<vmem>>, %arg8: memref<1x2816xf32, #tpu.memory_space<vmem>>, %arg9: memref<16x2816xf32, #tpu.memory_space<vmem>>) attributes {dimension_semantics = [], scalar_prefetch = 0 : i64, scratch_operands = 0 : i64, tpu.core_type = #tpu.core_type<tc>} {
    %get3A = arith.constant 0 : index
    %get3A_0 = arith.constant 0 : index
    %get3A_1 = vector.load %arg0[%get3A, %get3A_0] : memref<16x256xf32, #tpu.memory_space<vmem>>, vector<16x256xf32>
    %get3A_2 = arith.constant 0 : index
    %get3A_3 = arith.constant 0 : index
    %get3A_4 = vector.load %arg1[%get3A_2, %get3A_3] : memref<256x512xf32, #tpu.memory_space<vmem>>, vector<256x512xf32>
    %dot_general3A = arith.constant dense<0.000000e+00> : vector<16x512xf32>
    %dot_general3A_5 = tpu.matmul %get3A_1, %get3A_4, %dot_general3A {dimension_numbers = #tpu.dot_dimension_numbers<[1], [0], [0], [1], [0, 0, 1, 1], [], []>, transpose_lhs_hint = false} : vector<16x256xf32>, vector<256x512xf32>, vector<16x512xf32> -> vector<16x512xf32>
    %get3A_6 = arith.constant 0 : index
    %get3A_7 = arith.constant 0 : index
    %get3A_8 = vector.load %arg2[%get3A_6, %get3A_7] : memref<1x512xf32, #tpu.memory_space<vmem>>, vector<1x512xf32>
    %add3A = vector.broadcast %get3A_8 : vector<1x512xf32> to vector<16x512xf32>
    %add3A_9 = arith.addf %dot_general3A_5, %add3A : vector<16x512xf32>
    %gt3A = arith.constant 0.000000e+00 : f32
    %gt3A_10 = vector.broadcast %gt3A : f32 to vector<16x512xf32>
    %gt3A_11 = arith.cmpf ogt, %add3A_9, %gt3A_10 : vector<16x512xf32>
    %exp3A = math.exp %add3A_9 : vector<16x512xf32>
    %sub3A = arith.constant 1.000000e+00 : f32
    %sub3A_12 = vector.broadcast %sub3A : f32 to vector<16x512xf32>
    %sub3A_13 = arith.subf %exp3A, %sub3A_12 : vector<16x512xf32>
    %select_n3A = arith.select %gt3A_11, %add3A_9, %sub3A_13 : vector<16x512xi1>, vector<16x512xf32>
    %get3A_14 = arith.constant 0 : index
    %get3A_15 = arith.constant 0 : index
    %get3A_16 = vector.load %arg3[%get3A_14, %get3A_15] : memref<512x512xf32, #tpu.memory_space<vmem>>, vector<512x512xf32>
    %dot_general3A_17 = arith.constant dense<0.000000e+00> : vector<16x512xf32>
    %dot_general3A_18 = tpu.matmul %select_n3A, %get3A_16, %dot_general3A_17 {dimension_numbers = #tpu.dot_dimension_numbers<[1], [0], [0], [1], [0, 0, 1, 1], [], []>, transpose_lhs_hint = false} : vector<16x512xf32>, vector<512x512xf32>, vector<16x512xf32> -> vector<16x512xf32>
    %get3A_19 = arith.constant 0 : index
    %get3A_20 = arith.constant 0 : index
    %get3A_21 = vector.load %arg4[%get3A_19, %get3A_20] : memref<1x512xf32, #tpu.memory_space<vmem>>, vector<1x512xf32>
    %add3A_22 = vector.broadcast %get3A_21 : vector<1x512xf32> to vector<16x512xf32>
    %add3A_23 = arith.addf %dot_general3A_18, %add3A_22 : vector<16x512xf32>
    %gt3A_24 = arith.constant 0.000000e+00 : f32
    %gt3A_25 = vector.broadcast %gt3A_24 : f32 to vector<16x512xf32>
    %gt3A_26 = arith.cmpf ogt, %add3A_23, %gt3A_25 : vector<16x512xf32>
    %exp3A_27 = math.exp %add3A_23 : vector<16x512xf32>
    %sub3A_28 = arith.constant 1.000000e+00 : f32
    %sub3A_29 = vector.broadcast %sub3A_28 : f32 to vector<16x512xf32>
    %sub3A_30 = arith.subf %exp3A_27, %sub3A_29 : vector<16x512xf32>
    %select_n3A_31 = arith.select %gt3A_26, %add3A_23, %sub3A_30 : vector<16x512xi1>, vector<16x512xf32>
    %get3A_32 = arith.constant 0 : index
    %get3A_33 = arith.constant 0 : index
    %get3A_34 = vector.load %arg5[%get3A_32, %get3A_33] : memref<512x512xf32, #tpu.memory_space<vmem>>, vector<512x512xf32>
    %dot_general3A_35 = arith.constant dense<0.000000e+00> : vector<16x512xf32>
    %dot_general3A_36 = tpu.matmul %select_n3A_31, %get3A_34, %dot_general3A_35 {dimension_numbers = #tpu.dot_dimension_numbers<[1], [0], [0], [1], [0, 0, 1, 1], [], []>, transpose_lhs_hint = false} : vector<16x512xf32>, vector<512x512xf32>, vector<16x512xf32> -> vector<16x512xf32>
    %get3A_37 = arith.constant 0 : index
    %get3A_38 = arith.constant 0 : index
    %get3A_39 = vector.load %arg6[%get3A_37, %get3A_38] : memref<1x512xf32, #tpu.memory_space<vmem>>, vector<1x512xf32>
    %add3A_40 = vector.broadcast %get3A_39 : vector<1x512xf32> to vector<16x512xf32>
    %add3A_41 = arith.addf %dot_general3A_36, %add3A_40 : vector<16x512xf32>
    %gt3A_42 = arith.constant 0.000000e+00 : f32
    %gt3A_43 = vector.broadcast %gt3A_42 : f32 to vector<16x512xf32>
    %gt3A_44 = arith.cmpf ogt, %add3A_41, %gt3A_43 : vector<16x512xf32>
    %exp3A_45 = math.exp %add3A_41 : vector<16x512xf32>
    %sub3A_46 = arith.constant 1.000000e+00 : f32
    %sub3A_47 = vector.broadcast %sub3A_46 : f32 to vector<16x512xf32>
    %sub3A_48 = arith.subf %exp3A_45, %sub3A_47 : vector<16x512xf32>
    %select_n3A_49 = arith.select %gt3A_44, %add3A_41, %sub3A_48 : vector<16x512xi1>, vector<16x512xf32>
    %get3A_50 = arith.constant 0 : index
    %get3A_51 = arith.constant 0 : index
    %get3A_52 = vector.load %arg7[%get3A_50, %get3A_51] : memref<512x2816xf32, #tpu.memory_space<vmem>>, vector<512x2816xf32>
    %dot_general3A_53 = arith.constant dense<0.000000e+00> : vector<16x2816xf32>
    %dot_general3A_54 = tpu.matmul %select_n3A_49, %get3A_52, %dot_general3A_53 {dimension_numbers = #tpu.dot_dimension_numbers<[1], [0], [0], [1], [0, 0, 1, 1], [], []>, transpose_lhs_hint = false} : vector<16x512xf32>, vector<512x2816xf32>, vector<16x2816xf32> -> vector<16x2816xf32>
    %get3A_55 = arith.constant 0 : index
    %get3A_56 = arith.constant 0 : index
    %get3A_57 = vector.load %arg8[%get3A_55, %get3A_56] : memref<1x2816xf32, #tpu.memory_space<vmem>>, vector<1x2816xf32>
    %add3A_58 = vector.broadcast %get3A_57 : vector<1x2816xf32> to vector<16x2816xf32>
    %add3A_59 = arith.addf %dot_general3A_54, %add3A_58 : vector<16x2816xf32>
    %swap3A = arith.constant 0 : index
    %swap3A_60 = arith.constant 0 : index
    %swap3A_61 = vector.load %arg9[%swap3A, %swap3A_60] : memref<16x2816xf32, #tpu.memory_space<vmem>>, vector<16x2816xf32>
    tpu.vector_store %arg9[%swap3A, %swap3A_60], %add3A_59 {strides = array<i32>} : memref<16x2816xf32, #tpu.memory_space<vmem>>, vector<16x2816xf32>,
    return
  }
}

</mosaic_0001>

<sc_bundles>
// kernel: kernel.6.cloned.1.call-start
scs
__scs_entry_jumppad:
0x0: {  	(pc) =	sbr.rel $0x88, $3  }
0x1: {  	(tag) =	ssettag $0x0;
	lr =	simm.s32 $0x1  }
0x2: {  	[smem:$0x3F8B] =	sst lr;
	_ =	strace $0xD0000000  }
0x3: {  	_ = 	snop  }
0x4: {  	_ = 	snop  }
0x5: {  	_ = 	snop  }
0x6: {  	_ = 	snop  }
0x7: {  	_ = 	snop  }
__scs_overlays_trampoline_lowered:
0x8: {  	[smem:$0x3F9A] =	sst s0  }
0x9: {  	[smem:$0x3F9B] =	sst s1  }
0xa: {  	[smem:$0x3F9C] =	sst s2  }
0xb: {  	[smem:$0x3F9D] =	sst s3  }
0xc: {  	[smem:$0x3F9E] =	sst s4  }
0xd: {  	[smem:$0x3F9F] =	sst s5  }
0xe: {  	[smem:$0x3FA0] =	sst s6  }
0xf: {  	[smem:$0x3FA1] =	sst s7  }
0x10: {  	[smem:$0x3FA2] =	sst s8  }
0x11: {  	[smem:$0x3FA3] =	sst s9;
	s0 =	simm.s32 @!p0 $0x0  }
0x12: {  	s1 =	sld [smem:$0x3F89];
	s0 =	simm.s32 @p0 $0x1  }
0x13: {  	[smem:$0x3FA4] =	sst s0;
	s0 =	simm.s32 @!p1 $0x0  }
0x14: {  	s2 =	sld [smem:$0x3F88];
	s0 =	simm.s32 @p1 $0x1  }
0x15: {  	[smem:$0x3FA5] =	sst s0;
	s0 =	simm.s32 @!p2 $0x0  }
0x16: {  	s3 =	sld [smem:$0x3FDB];
	s0 =	simm.s32 @p2 $0x1  }
0x17: {  	s4 =	simm.s32 $0x1BF5;
	[smem:$0x3FA7] =	sst s0  }
0x18: {  	s0 =	sld [smem:$0x3F8A];
	_ =	swait.ge [sflag:s4], $0x0  }
0x19: {  	s7 =	sld [smem:$0x3F8B]  }
0x1a: {  	s8 =	sadd.s32 $0xFFFFE003, lr  }
0x1b: {  	s9 =	sadd.s32 $0xFFFFFEF7, lr;
	s5 =	simm.s32 $0xFFFFFFFF;
	p2 =	slt.u32 s8, $0xFFFFF086  }
0x1c: {  	p1 =	slt.u32 s9, $0xF7A;
	s5 =	simm.s32 @!p2 $0x0  }
0x1d: {  	s5 =	simm.s32 @p1 $0x1;
	p0 =	seq.s32 s7, s2  }
0x1e: {  	s7 =	smul.u32 @!p0 $0xF7A, s2;
	p2 =	seq.s32 @!p0 s5, $0x0  }
0x1f: {  	s9 =	smul.u32 $0xF7A, s1;
	s8 =	simm.s32 @!p0 $0x1BF5;
	p2 =	por !p2, p0  }
0x20: {  	[sflag:s8] =	ssyncset.s32 @!p0 $0xFFFFF086;
	s6 =	sadd.s32 @!p0 s3, s7;
	s7 =	simm.s32 @!p0 $0x108  }
0x21: {  	s3 =	sadd.s32 s3, s9;
	s6 =	sadd.s32 @!p0 $0x88, s6;
	s7 =	simm.s32 @p2 $0x1082  }
0x22: {  	[simem:s7], [sflag:s8] =	dma.local @!p0 [hbm:s6], $0xF7A  }
0x23: {  	s9 =	sor.u32 $0xD0000000, s2;
	s6 =	simm.s32 $0x108;
	_ =	swait.ge @!p0 [sflag:s8], $0x0  }
0x24: {  	s3 =	sadd.s32 $0x88, s3;
	s6 =	simm.s32 @!p1 $0x1082;
	[sflag:s4] =	ssyncset.s32 $0xFFFFF086  }
0x25: {  	[simem:s6], [sflag:s4] =	dma.local [hbm:s3], $0xF7A  }
0x26: {  	[smem:$0x3F8B] =	sst s1;
	(tag) =	ssettag s2;
	_ =	strace s9  }
0x27: {  	s1 =	sld [smem:$0x3F9B]  }
0x28: {  	s2 =	sld [smem:$0x3F9C]  }
0x29: {  	s4 =	sld [smem:$0x3F9E]  }
0x2a: {  	p0 =	seq.s32 s5, $0x0;
	s5 =	sld [smem:$0x3F9F]  }
0x2b: {  	s6 =	sld [smem:$0x3FA0]  }
0x2c: {  	s7 =	sld [smem:$0x3FA1]  }
0x2d: {  	s3 =	simm.s32 $0x108;
	s8 =	sld [smem:$0x3FA2]  }
0x2e: {  	s3 =	simm.s32 @!p0 $0x1082;
	s9 =	sld [smem:$0x3FA3]  }
0x2f: {  	lr =	sadd.s32 s0, s3;
	s0 =	sld [smem:$0x3F9A]  }
0x30: {  	s3 =	sld [smem:$0x3F9D]  }
0x31: {  	[smem:$0x3FA6] =	sst s10  }
0x32: {  	s10 =	sld [smem:$0x3FA4];
	_ =	sdelay $0x3  }
0x33: {  	p0 =	seq.s32 s10, $0x1;
	s10 =	sld [smem:$0x3FA6];
	_ =	sdelay $0x3  }
0x34: {  	[smem:$0x3FA6] =	sst s10  }
0x35: {  	s10 =	sld [smem:$0x3FA5];
	_ =	sdelay $0x3  }
0x36: {  	p1 =	seq.s32 s10, $0x1;
	s10 =	sld [smem:$0x3FA6];
	_ =	sdelay $0x3  }
0x37: {  	[smem:$0x3FA6] =	sst s10  }
0x38: {  	s10 =	sld [smem:$0x3FA7]  }
0x39: {  	_ = 	snop;
	(pc) =	sbr.ind lr, $3  }
0x3a: {  	_ = 	snop  }
0x3b: {  	_ = 	snop  }
0x3c: {  	p2 =	seq.s32 s10, $0x1;
	s10 =	sld [smem:$0x3FA6]  }
0x3d: {  	_ =	shalt  }
0x3e: {  	_ =	shalt  }
0x3f: {  	_ =	shalt  }
0x40: {  	_ =	shalt  }
0x41: {  	_ =	shalt  }
0x42: {  	_ =	shalt  }
0x43: {  	_ =	shalt  }
0x44: {  	_ =	shalt  }
0x45: {  	_ =	shalt  }
0x46: {  	_ =	shalt  }
0x47: {  	_ =	shalt  }
0x48: {  	_ =	shalt  }
0x49: {  	_ =	shalt  }
0x4a: {  	_ =	shalt  }
0x4b: {  	_ =	shalt  }
0x4c: {  	_ =	shalt  }
0x4d: {  	_ =	shalt  }
0x4e: {  	_ =	shalt  }
0x4f: {  	_ =	shalt  }
0x50: {  	_ =	shalt  }
0x51: {  	_ =	shalt  }
0x52: {  	_ =	shalt  }
0x53: {  	_ =	shalt  }
0x54: {  	_ =	shalt  }
0x55: {  	_ =	shalt  }
0x56: {  	_ =	shalt  }
0x57: {  	_ =	shalt  }
0x58: {  	_ =	shalt  }
0x59: {  	_ =	shalt  }
0x5a: {  	_ =	shalt  }
0x5b: {  	_ =	shalt  }
0x5c: {  	_ =	shalt  }
0x5d: {  	_ =	shalt  }
0x5e: {  	_ =	shalt  }
0x5f: {  	_ =	shalt  }
0x60: {  	_ =	shalt  }
0x61: {  	_ =	shalt  }
0x62: {  	_ =	shalt  }
0x63: {  	_ =	shalt  }
0x64: {  	_ =	shalt  }
0x65: {  	_ =	shalt  }
0x66: {  	_ =	shalt  }
0x67: {  	_ =	shalt  }
0x68: {  	_ =	shalt  }
0x69: {  	_ =	shalt  }
0x6a: {  	_ =	shalt  }
0x6b: {  	_ =	shalt  }
0x6c: {  	_ =	shalt  }
0x6d: {  	_ =	shalt  }
0x6e: {  	_ =	shalt  }
0x6f: {  	_ =	shalt  }
0x70: {  	_ =	shalt  }
0x71: {  	_ =	shalt  }
0x72: {  	_ =	shalt  }
0x73: {  	_ =	shalt  }
0x74: {  	_ =	shalt  }
0x75: {  	_ =	shalt  }
0x76: {  	_ =	shalt  }
0x77: {  	_ =	shalt  }
0x78: {  	_ =	shalt  }
0x79: {  	_ =	shalt  }
0x7a: {  	_ =	shalt  }
0x7b: {  	_ =	shalt  }
0x7c: {  	_ =	shalt  }
0x7d: {  	_ =	shalt  }
0x7e: {  	_ =	shalt  }
0x7f: {  	_ =	shalt  }
0x80: {  	_ =	shalt  }
0x81: {  	_ =	shalt  }
0x82: {  	_ =	shalt  }
0x83: {  	_ =	shalt  }
0x84: {  	_ =	shalt  }
0x85: {  	_ =	shalt  }
0x86: {  	_ =	shalt  }
0x87: {  	_ =	shalt  }
.Lfunc_end0:
.L_simem_size_0:
called_computation_lowered:
.L_overlay_start_0:
0x88: {  	s2 =	sld [smem:$0x3FD9]  }
0x89: {  	s3 =	sld [smem:$0x3FFE];
	_ =	sdelay $0x1  }
0x8a: {  	s1 =	srdreg.scid  }
0x8b: {  	s0 =	sand.u32 $0x1, s1  }
0x8c: {  	s14 =	sshll.u32 s0, $0xA;
	s2 =	sadd.s32 s3, s2  }
0x8d: {  	s2 =	sadd.s32 s2, s14  }
0x8e: {  	[smem:$0x3FB2] =	sst s2  }
0x8f: {  	_ = 	snop  }
0x90: {  	s2 =	sld [smem:$0x3FD0];
	_ =	sdelay $0x2  }
0x91: {  	s15 =	simm.s32 $0xA;
	s4 =	simm.s32 $0x10  }
0x92: {  	[smem:s4], [sflag:s15] =	dma.local [hbm:s2], $0x1  }
0x93: {  	_ =	swait.eq [sflag:s15], $0x1  }
0x94: {  	[sflag:s15] =	ssyncset.done $0x0  }
0x95: {  	[sflag:s15] =	ssyncadd.s32 $0xFFFFFFFF  }
0x96: {  	s16 =	sld [smem:$0x10];
	(tm) =	ssettm $0x1  }
0x97: {  	s17 =	sld [smem:$0x3FFB];
	_ =	sdelay $0x3  }
0x98: {  	_ =	strace s17  }
0x99: {  	s3 =	sld [smem:$0x3FFC];
	_ =	sdelay $0x3  }
0x9a: {  	_ =	strace s3  }
0x9b: {  	s3 =	sld [smem:$0x3FFD];
	_ =	sdelay $0x3  }
0x9c: {  	_ =	strace s3  }
0x9d: {  	_ =	strace $0x8FFFFFFF  }
0x9e: {  	s18 =	sld [smem:$0x3FDB];
	_ =	sdelay $0x1  }
0x9f: {  	s19 =	simm.s32 $_scs_section_size  }
0xa0: {  	s5 =	simm.s32 $_size__tile_overlayer_lowered;
	s6 =	simm.s32 $_tile_overlayer_lowered  }
0xa1: {  	s22 =	simm.s32 $0x1BFF;
	s21 =	sshll.u32 s6, $0x1;
	s3 =	sadd.s32 s19, s18  }
0xa2: {  	s7 =	simm.s32 $0x0;
	s20 =	sshll.u32 s5, $0x1;
	s5 =	sadd.s32 s21, s3  }
0xa3: {  	[timem:s7], [sflag:s22] =	dma.local [hbm:s5], s20  }
0xa4: {  	_ =	swait.ge [sflag:s22], s20  }
0xa5: {  	s4 =	ssub.s32 $0x0, s20;
	[sflag:s22] =	ssyncset.done $0x0  }
0xa6: {  	[sflag:s22] =	ssyncadd.s32 s4;
	_ =	sdelay $0x1  }
0xa7: {  	s23 =	simm.s32 $0x1B8B  }
0xa8: {  	_ =	swait.ge [sflag:s23], $0x1  }
0xa9: {  	[sflag:s23] =	ssyncset.done $0x0  }
0xaa: {  	s25 =	simm.s32 $0x1B8E;
	s24 =	sld [smem:$0x3FFE];
	[sflag:s23] =	ssyncadd.s32 $0xFFFFFFFF  }
0xab: {  	s26 =	simm.s32 $execute0_lowered;
	[smem:$0x3FD2] =	sst s25  }
0xac: {  	s5 =	sshll.u32 s26, $0x1;
	_ =	strace $0x80000046;
	[dreg:$0x1] =	wrdreg $0xFFFFFFFF  }
0xad: {  	s28 =	simm.s32 $_size_execute0_lowered;
	s3 =	sadd.s32 s3, s5;
	[dreg:$0x0] =	wrdreg $0x0  }
0xae: {  	s5 =	sshll.u32 s28, $0x1;
	[dreg:$0x2] =	wrdreg s3  }
0xaf: {  	[dreg:$0x3] =	wrdreg s5  }
0xb0: {  	[dreg:$0x4] =	wrdreg $0xC0  }
0xb1: {  	_ =	task [dreg:s7], $0x5FFFF  }
0xb2: {  	[dreg:$0x1] =	wrdreg $0xFFFFFFFF  }
0xb3: {  	[dreg:$0x0] =	wrdreg $0x60  }
0xb4: {  	[dreg:$0x2] =	wrdreg s24  }
0xb5: {  	[dreg:$0x3] =	wrdreg s16  }
0xb6: {  	[dreg:$0x4] =	wrdreg $0x9  }
0xb7: {  	_ =	task.clear_ibuf [dreg:s7], $0x5FFFF;
	_ =	strace $0x90000046  }
0xb8: {  	s29 =	simm.s32 $0x9;
	_ =	strace $0x80000048  }
0xb9: {  	_ =	swait.ge [sflag:s29], $0x1  }
0xba: {  	[sflag:s29] =	ssyncadd.s32 $0xFFFFFFFF  }
0xbb: {  	_ =	strace $0x90000048  }
0xbc: {  	_ =	sfence  }
0xbd: {  	s30 =	sld [smem:$0x0];
	_ =	sdelay $0x2  }
0xbe: {  	s31 =	sshll.u32 s1, $0xD;
	s1 =	sshrl.u32 s1, $0x2  }
0xbf: {  	s3 =	sand.u32 $0x4000, s31;
	s1 =	sadd.s32 s1, s30  }
0xc0: {  	s0 =	sor.u32 s3, s0;
	s1 =	sshll.u32 s1, $0x11  }
0xc1: {  	s0 =	sor.u32 s1, s0  }
0xc2: {  	s0 =	sadd.s32 $0x8F2B, s0  }
0xc3: {  	[sflag:s0] =	ssyncadd.remote.s32 $0x1  }
0xc4: {  	_ =	sfence.sel $0xFFFF  }
0xc5: {  	[dreg:$0x0] =	wrdreg $0xFFFFFFFF;
	(pc) =	sbr.abs _section_cstart, $3  }
0xc6: {  	[dreg:$0x1] =	wrdreg $0xFFFFFFFF  }
0xc7: {  	_ =	task.clear_ibuf [dreg:s7], $0x2FFFF;
	_ =	strace $0x9FFFFFFF  }
0xc8: {  	(tm) =	ssettm $0x7FFFFFFF  }
0xc9: {  	_ =	shalt  }
tec
execute0_lowered:
.L_overlay_start_1:
0x0: {  	(tag) =	ssettag $0x1  }
0x1: {  	v0 =	vimm.s32 $0xE88;
	vm14 =	vcmask $0x300  }
0x2: {  	vm13 =	vcmask $0x704;
	v0 =	vsel vm14, $0x0, v0  }
0x3: {  	vm12 =	vcmask $0xB08;
	v0 =	vsel vm13, $0xFF, v0  }
0x4: {  	vm11 =	vcmask $0xF0C;
	v0 =	vsel vm12, $0x1FD, v0  }
0x5: {  	vm10 =	vcmask $0x1310;
	v0 =	vsel vm11, $0x2FA, v0  }
0x6: {  	vm9 =	vcmask $0x1714;
	v0 =	vsel vm10, $0x3F6, v0  }
0x7: {  	vm8 =	vcmask $0x1B18;
	v0 =	vsel vm9, $0x4F1, v0  }
0x8: {  	vm7 =	vcmask $0x1F1C;
	v0 =	vsel vm8, $0x5EB, v0  }
0x9: {  	vm6 =	vcmask $0x2320;
	v0 =	vsel vm7, $0x6E4, v0  }
0xa: {  	vm5 =	vcmask $0x2724;
	v0 =	vsel vm6, $0x7DC, v0  }
0xb: {  	vm4 =	vcmask $0x2B28;
	v0 =	vsel vm5, $0x8D3, v0  }
0xc: {  	vm3 =	vcmask $0x2F2C;
	v0 =	vsel vm4, $0x9C9, v0  }
0xd: {  	vm2 =	vcmask $0x3330;
	v0 =	vsel vm3, $0xABE, v0  }
0xe: {  	vm1 =	vcmask $0x3734;
	v0 =	vsel vm2, $0xBB2, v0  }
0xf: {  	vm0 =	vcmask $0x3B38;
	v1 =	vimm.s32 $0x1D10;
	v0 =	vsel vm1, $0xCA5, v0  }
0x10: {  	v7 =	vsel vm0, $0xD97, v0;
	v0 =	vsel vm14, $0xF78, v1;
	v1 =	vimm.s32 $0x2A98  }
0x11: {  	v0 =	vsel vm13, $0x1067, v0;
	v1 =	vsel vm14, $0x1DF0, v1  }
0x12: {  	v3 =	vimm.s32 $0x3720;
	v0 =	vsel vm12, $0x1155, v0;
	v1 =	vsel vm13, $0x1ECF, v1  }
0x13: {  	v3 =	vsel vm14, $0x2B68, v3;
	v0 =	vsel vm11, $0x1242, v0;
	v1 =	vsel vm12, $0x1FAD, v1  }
0x14: {  	v3 =	vsel vm13, $0x2C37, v3;
	v0 =	vsel vm10, $0x132E, v0;
	v1 =	vsel vm11, $0x208A, v1  }
0x15: {  	v3 =	vsel vm12, $0x2D05, v3;
	v0 =	vsel vm9, $0x1419, v0;
	v1 =	vsel vm10, $0x2166, v1  }
0x16: {  	v3 =	vsel vm11, $0x2DD2, v3;
	v0 =	vsel vm8, $0x1503, v0;
	v1 =	vsel vm9, $0x2241, v1  }
0x17: {  	v3 =	vsel vm10, $0x2E9E, v3;
	v0 =	vsel vm7, $0x15EC, v0;
	v1 =	vsel vm8, $0x231B, v1  }
0x18: {  	v3 =	vsel vm9, $0x2F69, v3;
	v0 =	vsel vm6, $0x16D4, v0;
	v1 =	vsel vm7, $0x23F4, v1  }
0x19: {  	v3 =	vsel vm8, $0x3033, v3;
	v0 =	vsel vm5, $0x17BB, v0;
	v1 =	vsel vm6, $0x24CC, v1  }
0x1a: {  	v3 =	vsel vm7, $0x30FC, v3;
	v0 =	vsel vm4, $0x18A1, v0;
	v1 =	vsel vm5, $0x25A3, v1  }
0x1b: {  	v3 =	vsel vm6, $0x31C4, v3;
	v0 =	vsel vm3, $0x1986, v0;
	v1 =	vsel vm4, $0x2679, v1  }
0x1c: {  	v3 =	vsel vm5, $0x328B, v3;
	v0 =	vsel vm2, $0x1A6A, v0;
	v1 =	vsel vm3, $0x274E, v1  }
0x1d: {  	v4 =	vsel vm4, $0x3351, v3;
	v0 =	vsel vm1, $0x1B4D, v0;
	v1 =	vsel vm2, $0x2822, v1  }
0x1e: {  	v11 =	vsel vm0, $0x1C2F, v0;
	v0 =	vsel vm1, $0x28F5, v1;
	v1 =	vsel vm3, $0x3416, v4  }
0x1f: {  	v13 =	vsel vm0, $0x29C7, v0;
	v0 =	vsel vm2, $0x34DA, v1  }
0x20: {  	v1 =	vimm.s32 $0x42A8;
	v0 =	vsel vm1, $0x359D, v0  }
0x21: {  	v17 =	vsel vm0, $0x365F, v0;
	v0 =	vsel vm14, $0x37E0, v1;
	v1 =	vimm.s32 $0x4D30  }
0x22: {  	v0 =	vsel vm13, $0x389F, v0;
	v1 =	vsel vm14, $0x4358, v1  }
0x23: {  	v9 =	vimm.s32 $0x56B8;
	v0 =	vsel vm12, $0x395D, v0;
	v1 =	vsel vm13, $0x4407, v1  }
0x24: {  	v9 =	vsel vm14, $0x4DD0, v9;
	v0 =	vsel vm11, $0x3A1A, v0;
	v1 =	vsel vm12, $0x44B5, v1  }
0x25: {  	v9 =	vsel vm13, $0x4E6F, v9;
	v0 =	vsel vm10, $0x3AD6, v0;
	v1 =	vsel vm11, $0x4562, v1  }
0x26: {  	v9 =	vsel vm12, $0x4F0D, v9;
	v0 =	vsel vm9, $0x3B91, v0;
	v1 =	vsel vm10, $0x460E, v1  }
0x27: {  	v9 =	vsel vm11, $0x4FAA, v9;
	v0 =	vsel vm8, $0x3C4B, v0;
	v1 =	vsel vm9, $0x46B9, v1  }
0x28: {  	v9 =	vsel vm10, $0x5046, v9;
	v0 =	vsel vm7, $0x3D04, v0;
	v1 =	vsel vm8, $0x4763, v1  }
0x29: {  	v9 =	vsel vm9, $0x50E1, v9;
	v0 =	vsel vm6, $0x3DBC, v0;
	v1 =	vsel vm7, $0x480C, v1  }
0x2a: {  	v9 =	vsel vm8, $0x517B, v9;
	v0 =	vsel vm5, $0x3E73, v0;
	v1 =	vsel vm6, $0x48B4, v1  }
0x2b: {  	v9 =	vsel vm7, $0x5214, v9;
	v0 =	vsel vm4, $0x3F29, v0;
	v1 =	vsel vm5, $0x495B, v1  }
0x2c: {  	v9 =	vsel vm6, $0x52AC, v9;
	v0 =	vsel vm3, $0x3FDE, v0;
	v1 =	vsel vm4, $0x4A01, v1  }
0x2d: {  	v9 =	vsel vm5, $0x5343, v9;
	v0 =	vsel vm2, $0x4092, v0;
	v1 =	vsel vm3, $0x4AA6, v1  }
0x2e: {  	v10 =	vsel vm4, $0x53D9, v9;
	v0 =	vsel vm1, $0x4145, v0;
	v1 =	vsel vm2, $0x4B4A, v1  }
0x2f: {  	v9 =	vsel vm0, $0x41F7, v0;
	v0 =	vsel vm1, $0x4BED, v1;
	v1 =	vsel vm3, $0x546E, v10  }
0x30: {  	v12 =	vsel vm0, $0x4C8F, v0;
	v0 =	vsel vm2, $0x5502, v1  }
0x31: {  	v23 =	vlaneseq.u32;
	v1 =	vimm.s32 $0x5F40;
	v0 =	vsel vm1, $0x5595, v0  }
0x32: {  	v19 =	vsel vm0, $0x5627, v0;
	v0 =	vsel vm14, $0x5748, v1;
	v1 =	vimm.s32 $0x66C8  }
0x33: {  	v15 =	vimm.s32 $0x6D50;
	v0 =	vsel vm13, $0x57D7, v0;
	v1 =	vsel vm14, $0x5FC0, v1  }
0x34: {  	v21 =	vimm.s32 $0x7AE8;
	v0 =	vsel vm12, $0x5865, v0;
	v1 =	vsel vm13, $0x603F, v1  }
0x35: {  	v15 =	vsel vm14, $0x6738, v15;
	v0 =	vsel vm11, $0x58F2, v0;
	v1 =	vsel vm12, $0x60BD, v1  }
0x36: {  	v15 =	vsel vm13, $0x67A7, v15;
	v0 =	vsel vm10, $0x597E, v0;
	v1 =	vsel vm11, $0x613A, v1  }
0x37: {  	v15 =	vsel vm12, $0x6815, v15;
	v0 =	vsel vm9, $0x5A09, v0;
	v1 =	vsel vm10, $0x61B6, v1  }
0x38: {  	v15 =	vsel vm11, $0x6882, v15;
	v0 =	vsel vm8, $0x5A93, v0;
	v1 =	vsel vm9, $0x6231, v1  }
0x39: {  	v15 =	vsel vm10, $0x68EE, v15;
	v0 =	vsel vm7, $0x5B1C, v0;
	v1 =	vsel vm8, $0x62AB, v1  }
0x3a: {  	v15 =	vsel vm9, $0x6959, v15;
	v0 =	vsel vm6, $0x5BA4, v0;
	v1 =	vsel vm7, $0x6324, v1  }
0x3b: {  	v15 =	vsel vm8, $0x69C3, v15;
	v0 =	vsel vm5, $0x5C2B, v0;
	v1 =	vsel vm6, $0x639C, v1  }
0x3c: {  	v15 =	vsel vm7, $0x6A2C, v15;
	v0 =	vsel vm4, $0x5CB1, v0;
	v1 =	vsel vm5, $0x6413, v1  }
0x3d: {  	v15 =	vsel vm6, $0x6A94, v15;
	v0 =	vsel vm3, $0x5D36, v0;
	v1 =	vsel vm4, $0x6489, v1  }
0x3e: {  	v15 =	vsel vm5, $0x6AFB, v15;
	v0 =	vsel vm2, $0x5DBA, v0;
	v1 =	vsel vm3, $0x64FE, v1  }
0x3f: {  	v16 =	vsel vm4, $0x6B61, v15;
	v0 =	vsel vm1, $0x5E3D, v0;
	v1 =	vsel vm2, $0x6572, v1  }
0x40: {  	v15 =	vsel vm0, $0x5EBF, v0;
	v0 =	vsel vm1, $0x65E5, v1;
	v1 =	vsel vm3, $0x6BC6, v16  }
0x41: {  	v21 =	vsel vm14, $0x77A0, v21;
	v16 =	vsel vm0, $0x6657, v0;
	v0 =	vsel vm2, $0x6C2A, v1  }
0x42: {  	v30 =	vor.u32 $0xC0, v23;
	v1 =	vimm.s32 $0x72D8;
	v0 =	vsel vm1, $0x6C8D, v0  }
0x43: {  	v20 =	vsel vm0, $0x6CEF, v0;
	v0 =	vsel vm14, $0x6DB0, v1;
	v1 =	vimm.s32 $0x7760  }
0x44: {  	v29 =	vor.u32 $0xD0, v23;
	v0 =	vsel vm13, $0x6E0F, v0;
	v1 =	vsel vm14, $0x7328, v1  }
0x45: {  	v34 =	vor.u32 $0xE0, v23;
	v0 =	vsel vm12, $0x6E6D, v0;
	v1 =	vsel vm13, $0x7377, v1  }
0x46: {  	v63 =	vor.u32 $0xF0, v23;
	v0 =	vsel vm11, $0x6ECA, v0;
	v1 =	vsel vm12, $0x73C5, v1  }
0x47: {  	v21 =	vsel vm13, $0x77DF, v21;
	v0 =	vsel vm10, $0x6F26, v0;
	v1 =	vsel vm11, $0x7412, v1  }
0x48: {  	v21 =	vsel vm12, $0x781D, v21;
	v0 =	vsel vm9, $0x6F81, v0;
	v1 =	vsel vm10, $0x745E, v1  }
0x49: {  	v21 =	vsel vm11, $0x785A, v21;
	v0 =	vsel vm8, $0x6FDB, v0;
	v1 =	vsel vm9, $0x74A9, v1  }
0x4a: {  	v21 =	vsel vm10, $0x7896, v21;
	v0 =	vsel vm7, $0x7034, v0;
	v1 =	vsel vm8, $0x74F3, v1  }
0x4b: {  	s2 =	stileid.u32;
	v21 =	vsel vm9, $0x78D1, v21;
	v0 =	vsel vm6, $0x708C, v0;
	v1 =	vsel vm7, $0x753C, v1  }
0x4c: {  	s1 =	sshrl.u32 s2, $0x3;
	s2 =	sshll.u32 s2, $0x7;
	v21 =	vsel vm8, $0x790B, v21;
	v0 =	vsel vm5, $0x70E3, v0;
	v1 =	vsel vm6, $0x7584, v1  }
0x4d: {  	s0 =	rddreg [dreg:$0x0];
	s6 =	sand.u32 $0x380, s2;
	s2 =	simm.s32 $0x0;
	v21 =	vsel vm7, $0x7944, v21;
	v0 =	vsel vm4, $0x7139, v0;
	v1 =	vsel vm5, $0x75CB, v1  }
0x4e: {  	[smem:$0x7FF] =	sst s2;
	v21 =	vsel vm6, $0x797C, v21;
	v0 =	vsel vm3, $0x718E, v0;
	v1 =	vsel vm4, $0x7611, v1  }
0x4f: {  	s5 =	rddreg [dreg:$0x1];
	_ =	strace $0x80000047;
	[tilespmem:$0x1FE90] =	vst v63;
	v21 =	vsel vm5, $0x79B3, v21;
	v0 =	vsel vm2, $0x71E2, v0;
	v1 =	vsel vm3, $0x7656, v1  }
0x50: {  	[tilespmem:$0x1FF90] =	vst v34;
	v22 =	vsel vm4, $0x79E9, v21;
	v0 =	vsel vm1, $0x7235, v0;
	v1 =	vsel vm2, $0x769A, v1  }
0x51: {  	[tilespmem:$0x1FFA0] =	vst v29;
	v18 =	vsel vm0, $0x7287, v0;
	v0 =	vsel vm1, $0x76DD, v1;
	v1 =	vsel vm3, $0x7A1E, v22  }
0x52: {  	v35 =	vor.u32 $0xB0, v23;
	[tilespmem:$0x1FFB0] =	vst v30;
	v22 =	vsel vm0, $0x771F, v0;
	v0 =	vsel vm2, $0x7A52, v1  }
0x53: {  	v33 =	vor.u32 $0xA0, v23;
	[tilespmem:$0x1FFC0] =	vst v35;
	v1 =	vimm.s32 $0x7D70;
	v0 =	vsel vm1, $0x7A85, v0  }
0x54: {  	v26 =	vor.u32 $0x90, v23;
	[tilespmem:$0x1FFD0] =	vst v33;
	v25 =	vsel vm0, $0x7AB7, v0;
	v0 =	vsel vm14, $0x7B18, v1  }
0x55: {  	v24 =	vor.u32 $0x80, v23;
	[tilespmem:$0x1FFE0] =	vst v26;
	v1 =	vimm.s32 $0x7EF8;
	v0 =	vsel vm13, $0x7B47, v0  }
0x56: {  	v27 =	vimm.s32 $0x7F80;
	[tilespmem:$0x1FFF0] =	vst v24;
	v1 =	vsel vm14, $0x7D90, v1;
	v0 =	vsel vm12, $0x7B75, v0  }
0x57: {  	v27 =	vsel vm14, $0x7F08, v27;
	[tilespmem:$0x1FF10] =	vst v7;
	v1 =	vsel vm13, $0x7DAF, v1;
	v0 =	vsel vm11, $0x7BA2, v0  }
0x58: {  	v27 =	vsel vm13, $0x7F17, v27;
	[tilespmem:$0x1FF30] =	vst v11;
	v1 =	vsel vm12, $0x7DCD, v1;
	v0 =	vsel vm10, $0x7BCE, v0  }
0x59: {  	v27 =	vsel vm12, $0x7F25, v27;
	[tilespmem:$0x1FF50] =	vst v13;
	v1 =	vsel vm11, $0x7DEA, v1;
	v0 =	vsel vm9, $0x7BF9, v0  }
0x5a: {  	s4 =	srdreg.scid;
	s18 =	simm.s32 $0x80;
	s16 =	simm.s32 $0x400;
	v27 =	vsel vm11, $0x7F32, v27;
	[tilespmem:$0x1FF70] =	vst v17;
	v1 =	vsel vm10, $0x7E06, v1;
	v0 =	vsel vm8, $0x7C23, v0  }
0x5b: {  	s17 =	simm.s32 $0x2;
	s19 =	simm.s32 $0x1;
	s20 =	simm.s32 $0x0;
	v27 =	vsel vm10, $0x7F3E, v27;
	[tilespmem:$0x1FF80] =	vst v9;
	v1 =	vsel vm9, $0x7E21, v1;
	v0 =	vsel vm7, $0x7C4C, v0  }
0x5c: {  	s7 =	sand.u32 $0x1, s4;
	s3 =	smul.u32 $0x40400, s1;
	s1 =	sshll.u32 s1, $0x13;
	v27 =	vsel vm9, $0x7F49, v27;
	[tilespmem:$0x1FF00] =	vst v12;
	v1 =	vsel vm8, $0x7E3B, v1;
	v0 =	vsel vm6, $0x7C74, v0  }
0x5d: {  	s8 =	ssub.s32 $0x2, s7;
	s4 =	sshll.u32 s7, $0x12;
	s26 =	smul.u32 $0x300, s7;
	v27 =	vsel vm8, $0x7F53, v27;
	[tilespmem:$0x1FF60] =	vst v19;
	v1 =	vsel vm7, $0x7E54, v1;
	v0 =	vsel vm5, $0x7C9B, v0  }
0x5e: {  	s31 =	sshll.u32 s7, $0x8;
	s1 =	sor.u32 s4, s1;
	s4 =	smul.u32 $0x7F80, s7;
	v27 =	vsel vm7, $0x7F5C, v27;
	[tilespmem:$0x1FF20] =	vst v15;
	v1 =	vsel vm6, $0x7E6C, v1;
	v0 =	vsel vm4, $0x7CC1, v0  }
0x5f: {  	s10 =	sshrl.u32 s8, $0x1;
	s14 =	sor.u32 $0xFC, s31;
	s3 =	sor.u32 s6, s3;
	v27 =	vsel vm6, $0x7F64, v27;
	[tilespmem:$0x1FEA0] =	vst v16;
	v1 =	vsel vm5, $0x7E83, v1;
	v0 =	vsel vm3, $0x7CE6, v0  }
0x60: {  	s1 =	sor.u32 s6, s1;
	s8 =	ssub.s32 s8, s10;
	s10 =	sor.u32 $0xC, s26;
	v27 =	vsel vm5, $0x7F6B, v27;
	[tilespmem:$0x1FF40] =	vst v20;
	v1 =	vsel vm4, $0x7E99, v1;
	v0 =	vsel vm2, $0x7D0A, v0  }
0x61: {  	s3 =	sshrl.u32 s3, $0x3;
	s1 =	sshrl.u32 s1, $0x3;
	s29 =	smax.u32 s8, $0x1;
	v27 =	vsel vm4, $0x7F71, v27;
	[tilespmem:$0x1FEF0] =	vst v18;
	v1 =	vsel vm3, $0x7EAE, v1;
	v0 =	vsel vm1, $0x7D2D, v0  }
0x62: {  	s8 =	sadd.s32 $0xFF, s4;
	s0 =	sadd.s32 s3, s0;
	s3 =	sshll.u32 s7, $0x7;
	v28 =	vsel vm3, $0x7F76, v27;
	[tilespmem:$0x1FEE0] =	vst v22;
	v27 =	vsel vm0, $0x7D4F, v0;
	v0 =	vsel vm2, $0x7EC2, v1  }
0x63: {  	v2 =	vor.u32 $0x10, v23;
	s12 =	sadd.s32 $0x7D82, s4;
	s28 =	sadd.s32 s5, s1;
	s9 =	sor.u32 $0x1, s3;
	[tilespmem:$0x1FEB0] =	vst v25;
	v1 =	vsel vm2, $0x7F7A, v28;
	v0 =	vsel vm1, $0x7ED5, v0  }
0x64: {  	v6 =	vor.u32 $0x30, v23;
	[dreg:$0x5] =	wrdreg s29;
	s0 =	sadd.s32 $0x2E00, s0;
	s25 =	smul.u32 s7, s9;
	v1 =	vsel vm1, $0x7F7D, v1;
	[tilespmem:$0x1FEC0] =	vst v27;
	v59 =	vsel vm0, $0x7EE7, v0  }
0x65: {  	v8 =	vor.u32 $0x40, v23;
	[dreg:$0x4] =	wrdreg s28;
	s11 =	sor.u32 $0x7E, s3;
	s30 =	sor.u32 $0x7D, s3;
	v3 =	vor.u32 $0x70, v23;
	v31 =	vsel vm0, $0x7F7F, v1;
	[tilespmem:$0x1FE80] =	vst v59  }
0x66: {  	v14 =	vor.u32 $0x60, v23;
	[dreg:$0x3] =	wrdreg s0;
	s13 =	smul.u32 s30, s11;
	s9 =	sshll.u32 s25, $0x7;
	v21 =	vmovc v3;
	v4 =	vor.u32 $0x20, v23;
	v10 =	vor.u32 $0x50, v23;
	[tilespmem:$0x1FED0] =	vst v31  }
.LBB2_1:
0x67: {  	s0 =	sshrl.u32 s9, $0x1  }
0x68: {  	s0 =	ssub.s32 s8, s0  }
0x69: {  	v32 =	vadd.s32 s0, v34  }
0x6a: {  	v3 =	vadd.s32 s0, v29;
	v41 =	vadd.s32 s0, v24;
	v42 =	vadd.s32 s0, v14  }
0x6b: {  	s5 =	sadd.s32 $0xFFFFFFFD, s3;
	v43 =	vadd.s32 s0, v21;
	v1 =	vadd.s32 s0, v6;
	v38 =	vadd.s32 s0, v8  }
0x6c: {  	s6 =	sadd.s32 $0x4, s5;
	v44 =	vadd.s32 s0, v10;
	v39 =	vadd.s32 s0, v23;
	v45 =	vadd.s32 s0, v2  }
0x6d: {  	s7 =	sadd.s32 $0x3, s5;
	v46 =	vadd.s32 s0, v4;
	v36 =	vmov s6;
	v47 =	vadd.s32 s6, v7  }
0x6e: {  	v28 =	vmovc v34;
	s1 =	sadd.s32 $0x5, s5;
	v34 =	vmovc v29;
	v48 =	vadd.s32 s6, v11;
	v29 =	vmov s7;
	v49 =	vadd.s32 s7, v7  }
0x6f: {  	s5 =	sadd.s32 $0x2, s5;
	s15 =	smul.u32 s1, s6;
	v59 =	vmov s1;
	v50 =	vadd.s32 s1, v7;
	v56 =	vadd.s32 s7, v11  }
0x70: {  	s5 =	smul.u32 s7, s5;
	v58 =	vadd.s32 s7, v13;
	v60 =	vadd.s32 s6, v13;
	v61 =	vadd.s32 s1, v11  }
0x71: {  	v54 =	vadd.s32 s6, v17;
	vm0 =	vgt.u32 v36, v23;
	vm1 =	vgt.u32 v29, v23  }
0x72: {  	vm2 =	vgt.u32 v29, v2;
	s15 =	sshra.s32 s15, $0x1;
	v47 =	vsel vm0, v47, v39;
	s5 =	sshra.s32 s5, $0x1;
	vm0 =	vgt.u32 v36, v2  }
0x73: {  	vm3 =	vgt.u32 v59, v23;
	v39 =	vadd.s32 s7, v17;
	s15 =	ssub.s32 s4, s15;
	s5 =	ssub.s32 s4, s5;
	v45 =	vsel vm0, v48, v45  }
0x74: {  	vm0 =	vgt.u32 v29, v4;
	s31 =	sadd.s32 $0x1FE, s15;
	v52 =	vadd.s32 s5, v23;
	v53 =	vadd.s32 s5, v2  }
0x75: {  	v57 =	vadd.s32 s5, v4;
	v63 =	vadd.s32 s5, v6;
	v51 =	vadd.s32 s31, v23  }
0x76: {  	v49 =	vsel vm1, v49, v52;
	v48 =	vsel vm2, v56, v53;
	vm1 =	vgt.u32 v36, v4  }
0x77: {  	v52 =	vsel vm0, v58, v57;
	vm0 =	vgt.u32 v59, v2;
	v62 =	vadd.s32 s31, v2  }
0x78: {  	v57 =	vadd.s32 s5, v8;
	v58 =	vadd.s32 s7, v9;
	v53 =	vadd.s32 s5, v14  }
0x79: {  	s25 =	rddreg [dreg:$0x3];
	vm2 =	vgt.u32 v59, v6;
	v50 =	vsel vm3, v50, v51;
	v55 =	vsel vm1, v60, v46  }
0x7a: {  	[tilespmem:s2], [sflag:$0x2] =	stream.strided.gather [hbm4b:s25+s18], $0x8080, s16, s18, $0x38;
	vm1 =	vgt.u32 v29, v6;
	v46 =	vsel vm0, v61, v62;
	vm0 =	vgt.u32 v36, v6;
	[tilespmem:$0x10080] =	vst v63  }
0x7b: {  	_ =	swait.ge [sflag:s17], $0x8080;
	v56 =	vsel vm1, v39, v63;
	vm1 =	vgt.u32 v29, v8;
	v60 =	vsel vm0, v54, v1  }
0x7c: {  	[sflag:s17] =	ssyncset.done $0x0;
	vm0 =	vgt.u32 v36, v8;
	v1 =	vadd.s32 s6, v9;
	v63 =	vadd.s32 s1, v13  }
0x7d: {  	[sflag:s17] =	ssyncadd.s32 $0xFFFF7F80;
	v39 =	vadd.s32 s31, v4;
	v54 =	vadd.s32 s6, v19;
	v61 =	vsel vm1, v58, v57  }
0x7e: {  	vm1 =	vgt.u32 v59, v4;
	v57 =	vadd.s32 s5, v10;
	v1 =	vsel vm0, v1, v38;
	v50 =	vld.idx.msk [tilespmem:v50+s2+$0x0], $0xffff  }
0x7f: {  	vm0 =	vgt.u32 v29, v10;
	v58 =	vadd.s32 s7, v12;
	v62 =	vsel vm1, v63, v39  }
0x80: {  	vm1 =	vgt.u32 v36, v10;
	v51 =	vsel vm0, v58, v57;
	v63 =	vadd.s32 s6, v12  }
0x81: {  	vm0 =	vgt.u32 v29, v14;
	v39 =	vadd.s32 s7, v19;
	v58 =	vadd.s32 s31, v6  }
0x82: {  	s21 =	simm.s32 $0x8200;
	v38 =	vsel vm1, v63, v44;
	v44 =	vld.idx.msk [tilespmem:v49+s2+$0x0], $0xffff;
	vm1 =	vgt.u32 v36, v14;
	v63 =	vadd.s32 s1, v17  }
0x83: {  	v39 =	vsel vm0, v39, v53;
	vm0 =	vgt.u32 v29, v21;
	v49 =	vadd.s32 s5, v21;
	[tilespmem:s21+$0x80] =	vst v50  }
0x84: {  	v57 =	vsel vm1, v54, v42;
	v42 =	vsel vm2, v63, v58;
	vm1 =	vgt.u32 v36, v21;
	v46 =	vld.idx.msk [tilespmem:v46+s2+$0x0], $0xffff  }
0x85: {  	v58 =	vadd.s32 s7, v15;
	v54 =	vadd.s32 s5, v24;
	v63 =	vadd.s32 s6, v15  }
0x86: {  	v47 =	vld.idx.msk [tilespmem:v47+s2+$0x0], $0xffff;
	vm2 =	vgt.u32 v59, v8;
	v58 =	vsel vm0, v58, v49;
	vm0 =	vgt.u32 v29, v24  }
0x87: {  	v53 =	vsel vm1, v63, v43;
	vm1 =	vgt.u32 v36, v24;
	[tilespmem:s21+$0xFFFFFE80] =	vst v44;
	v44 =	vadd.s32 s7, v16  }
0x88: {  	v63 =	vadd.s32 s31, v8;
	v49 =	vadd.s32 s6, v16;
	v43 =	vld.idx.msk [tilespmem:v48+s2+$0x0], $0xffff;
	v54 =	vsel vm0, v44, v54  }
0x89: {  	vm0 =	vgt.u32 v29, v26;
	v50 =	vsel vm1, v49, v41;
	[tilespmem:s21+$0x90] =	vst v46;
	v46 =	vadd.s32 s1, v9  }
0x8a: {  	v49 =	vadd.s32 s7, v20;
	v44 =	vld.idx.msk [tilespmem:v62+s2+$0x0], $0xffff;
	v62 =	vsel vm2, v46, v63;
	v46 =	vadd.s32 s5, v26  }
0x8b: {  	v0 =	vadd.s32 s0, v26;
	v40 =	vadd.s32 s0, v33;
	[tilespmem:s21+$0xFFFFFF80] =	vst v47;
	v41 =	vsel vm0, v49, v46  }
0x8c: {  	v47 =	vadd.s32 s6, v18;
	vm1 =	vgt.u32 v36, v26;
	v63 =	vadd.s32 s6, v20;
	[tilespmem:$0x1FDE0] =	vst v41  }
0x8d: {  	v48 =	vadd.s32 s7, v18;
	vm2 =	vgt.u32 v36, v33;
	v0 =	vsel vm1, v63, v0;
	v41 =	vld.idx.msk [tilespmem:v45+s2+$0x0], $0xffff;
	[tilespmem:s21+$0xFFFFFE90] =	vst v43  }
0x8e: {  	vm0 =	vgt.u32 v29, v33;
	vm1 =	vgt.u32 v59, v10;
	v43 =	vadd.s32 s5, v33;
	[tilespmem:$0x1FDF0] =	vst v0  }
0x8f: {  	v49 =	vadd.s32 s1, v12;
	v63 =	vadd.s32 s31, v10;
	v43 =	vsel vm0, v48, v43;
	v0 =	vld.idx.msk [tilespmem:v52+s2+$0x0], $0xffff;
	[tilespmem:s21+$0xA0] =	vst v44  }
0x90: {  	v40 =	vsel vm2, v47, v40;
	v63 =	vsel vm1, v49, v63;
	v42 =	vld.idx.msk [tilespmem:v42+s2+$0x0], $0xffff;
	[tilespmem:$0x1FE00] =	vst v43  }
0x91: {  	v49 =	vadd.s32 s7, v22;
	v48 =	vadd.s32 s5, v35;
	vm0 =	vgt.u32 v29, v35;
	[tilespmem:$0x1FE10] =	vst v40  }
0x92: {  	v40 =	vsel vm0, v49, v48;
	[tilespmem:s21+$0xFFFFFF90] =	vst v41  }
0x93: {  	v37 =	vadd.s32 s0, v35;
	vm1 =	vgt.u32 v36, v35;
	v52 =	vadd.s32 s6, v22;
	[tilespmem:$0x1FE20] =	vst v40  }
0x94: {  	v37 =	vsel vm1, v52, v37;
	[tilespmem:s21+$0xFFFFFEA0] =	vst v0  }
0x95: {  	v5 =	vadd.s32 s0, v30;
	v41 =	vld.idx.msk [tilespmem:v55+s2+$0x0], $0xffff;
	[tilespmem:$0x1FE30] =	vst v37  }
0x96: {  	v45 =	vadd.s32 s7, v25;
	vm1 =	vgt.u32 v29, v30;
	v0 =	vadd.s32 s5, v30;
	v37 =	vld.idx.msk [tilespmem:v56+s2+$0x0], $0xffff;
	[tilespmem:s21+$0xB0] =	vst v42  }
0x97: {  	vm2 =	vgt.u32 v36, v30;
	v0 =	vsel vm1, v45, v0;
	v49 =	vld.idx.msk [tilespmem:v62+s2+$0x0], $0xffff;
	v62 =	vadd.s32 s6, v25  }
0x98: {  	[tilespmem:$0x1FE40] =	vst v0;
	v5 =	vsel vm2, v62, v5  }
0x99: {  	v47 =	vadd.s32 s1, v19;
	vm0 =	vgt.u32 v59, v14;
	v48 =	vadd.s32 s31, v14;
	[tilespmem:$0x1FE50] =	vst v5  }
0x9a: {  	v52 =	vsel vm0, v47, v48;
	[tilespmem:s21+$0xFFFFFFA0] =	vst v41  }
0x9b: {  	vm0 =	vgt.u32 v29, v34;
	v0 =	vadd.s32 s5, v34;
	v5 =	vadd.s32 s7, v27;
	[tilespmem:s21+$0xFFFFFEB0] =	vst v37  }
0x9c: {  	v0 =	vsel vm0, v5, v0;
	v5 =	vld [tilespmem:$0x1FE80]  }
0x9d: {  	vm1 =	vgt.u32 v36, v34;
	v41 =	vadd.s32 s6, v27  }
0x9e: {  	v42 =	vld.idx.msk [tilespmem:v60+s2+$0x0], $0xffff;
	v3 =	vsel vm1, v41, v3;
	[tilespmem:$0x1FE60] =	vst v0  }
0x9f: {  	[tilespmem:$0x1FE70] =	vst v3  }
0xa0: {  	v0 =	vld [tilespmem:$0x1FE80];
	[tilespmem:s21+$0xC0] =	vst v49  }
0xa1: {  	v43 =	vadd.s32 s6, v5;
	v5 =	vld [tilespmem:$0x1FE90];
	_ =	sdelay $0x2  }
0xa2: {  	v40 =	vadd.s32 s5, v28  }
0xa3: {  	vm0 =	vgt.u32 v29, v28;
	vm1 =	vgt.u32 v36, v28;
	v3 =	vld.idx.msk [tilespmem:v61+s2+$0x0], $0xffff;
	v0 =	vadd.s32 s7, v0  }
0xa4: {  	v47 =	vld.idx.msk [tilespmem:v63+s2+$0x0], $0xffff;
	v0 =	vsel vm0, v0, v40;
	vm0 =	vgt.u32 v29, v5;
	v5 =	vsel vm1, v43, v32  }
0xa5: {  	[tilespmem:$0x1FDB0] =	vst v5;
	v5 =	vld [tilespmem:$0x1FE90];
	_ =	sdelay $0x2  }
0xa6: {  	[tilespmem:$0x1FDA0] =	vst v0  }
0xa7: {  	v0 =	vld [tilespmem:$0x1FE90];
	[tilespmem:s21+$0xFFFFFFB0] =	vst v42  }
0xa8: {  	vm1 =	vgt.u32 v36, v5;
	v5 =	vld [tilespmem:$0x1FE90];
	_ =	sdelay $0x3  }
0xa9: {  	v49 =	vadd.s32 s7, v31;
	v0 =	vadd.s32 s5, v0  }
0xaa: {  	v55 =	vadd.s32 s6, v31;
	v0 =	vsel vm0, v49, v0;
	[tilespmem:s21+$0xFFFFFEC0] =	vst v3;
	v56 =	vadd.s32 s0, v5  }
0xab: {  	v62 =	vld.idx.msk [tilespmem:v1+s2+$0x0], $0xffff;
	[tilespmem:$0x1FDC0] =	vst v0;
	v0 =	vsel vm1, v55, v56  }
0xac: {  	[tilespmem:$0x1FDD0] =	vst v0  }
0xad: {  	v0 =	vld.idx.msk [tilespmem:v51+s2+$0x0], $0xffff;
	[tilespmem:s21+$0xD0] =	vst v47  }
0xae: {  	v46 =	vadd.s32 s31, v21;
	v44 =	vadd.s32 s1, v15;
	vm2 =	vgt.u32 v59, v21;
	v52 =	vld.idx.msk [tilespmem:v52+s2+$0x0], $0xffff  }
0xaf: {  	v63 =	vsel vm2, v44, v46;
	_ =	sdelay $0x2  }
0xb0: {  	[tilespmem:s21+$0xFFFFFED0] =	vst v0  }
0xb1: {  	v41 =	vld.idx.msk [tilespmem:v39+s2+$0x0], $0xffff;
	[tilespmem:s21+$0xE0] =	vst v52  }
0xb2: {  	s18 =	sadd.s32 $0x0, s3;
	v61 =	vadd.s32 s1, v16;
	v29 =	vadd.s32 s31, v24;
	s5 =	sadd.s32 s10, s9;
	vm0 =	vgt.u32 v59, v24;
	v52 =	vld.idx.msk [tilespmem:v63+s2+$0x0], $0xffff  }
0xb3: {  	s28 =	sadd.s32 $0x2FD, s8;
	s25 =	sadd.s32 $0x4, s18;
	s26 =	sshrl.u32 s5, $0x1;
	v61 =	vsel vm0, v61, v29;
	[tilespmem:s21+$0xFFFFFFC0] =	vst v62  }
0xb4: {  	s22 =	ssub.s32 s28, s26;
	s26 =	sadd.s32 $0x3, s18;
	s0 =	sadd.s32 $0x2, s18;
	v1 =	vld.idx.msk [tilespmem:v38+s2+$0x0], $0xffff  }
0xb5: {  	s23 =	sadd.s32 $0x5, s18;
	v37 =	vmov s25;
	s0 =	smul.u32 s26, s0  }
0xb6: {  	s24 =	smul.u32 s23, s25;
	v43 =	vadd.s32 s1, v20;
	vm0 =	vgt.u32 v37, v23;
	v32 =	vadd.s32 s22, v23;
	[tilespmem:s21+$0xFFFFFEE0] =	vst v41  }
0xb7: {  	s30 =	sadd.s32 $0x2FD, s4;
	v40 =	vadd.s32 s26, v7;
	s0 =	sshra.s32 s0, $0x1;
	v38 =	vmov s26;
	v0 =	vadd.s32 s25, v7;
	v41 =	vld.idx.msk [tilespmem:v58+s2+$0x0], $0xffff;
	[tilespmem:s21+$0xF0] =	vst v52  }
0xb8: {  	s6 =	sshra.s32 s24, $0x1;
	s15 =	ssub.s32 s30, s0;
	v45 =	vsel vm0, v0, v32;
	vm0 =	vgt.u32 v59, v26;
	v0 =	vadd.s32 s31, v26;
	v58 =	vld.idx.msk [tilespmem:v61+s2+$0x0], $0xffff  }
0xb9: {  	s6 =	ssub.s32 s30, s6;
	vm1 =	vgt.u32 v38, v23;
	[tilespmem:s21+$0xFFFFFFD0] =	vst v1;
	v32 =	vadd.s32 s15, v23;
	v43 =	vsel vm0, v43, v0  }
0xba: {  	s24 =	sadd.s32 $0x1FE, s6;
	v36 =	vmov s23;
	v57 =	vld.idx.msk [tilespmem:v57+s2+$0x0], $0xffff;
	v39 =	vsel vm1, v40, v32  }
0xbb: {  	v29 =	vadd.s32 s24, v23;
	v1 =	vadd.s32 s23, v7;
	vm0 =	vgt.u32 v36, v23  }
0xbc: {  	v1 =	vsel vm0, v1, v29  }
0xbd: {  	[tilespmem:s21+$0x100] =	vst v58  }
0xbe: {  	v43 =	vld.idx.msk [tilespmem:v43+s2+$0x0], $0xffff  }
0xbf: {  	vm3 =	vgt.u32 v37, v2;
	v42 =	vadd.s32 s25, v11;
	v46 =	vadd.s32 s22, v6;
	[tilespmem:s21+$0xFFFFFFE0] =	vst v57;
	v39 =	vld.idx.msk [tilespmem:v39+s2+$0x0], $0xffff  }
0xc0: {  	v44 =	vadd.s32 s22, v4;
	v47 =	vadd.s32 s22, v8;
	v62 =	vadd.s32 s22, v2;
	v53 =	vld.idx.msk [tilespmem:v53+s2+$0x0], $0xffff  }
0xc1: {  	vm2 =	vgt.u32 v38, v2;
	v0 =	vadd.s32 s26, v11;
	v40 =	vsel vm3, v42, v62;
	v1 =	vld.idx.msk [tilespmem:v1+s2+$0x0], $0xffff;
	[tilespmem:s21+$0xFFFFFEF0] =	vst v41  }
0xc2: {  	v42 =	vadd.s32 s15, v4;
	vm1 =	vgt.u32 v37, v4;
	v32 =	vadd.s32 s1, v18;
	v54 =	vld.idx.msk [tilespmem:v54+s2+$0x0], $0xffff  }
0xc3: {  	s29 =	simm.s32 $0x8500;
	v63 =	vadd.s32 s26, v9;
	v29 =	vadd.s32 s15, v2;
	vm0 =	vgt.u32 v38, v4;
	[tilespmem:s21+$0x110] =	vst v43;
	v43 =	vld.idx.msk [tilespmem:v45+s2+$0x0], $0xffff  }
0xc4: {  	v0 =	vsel vm2, v0, v29;
	vm2 =	vgt.u32 v59, v33;
	v52 =	vadd.s32 s26, v13;
	[tilespmem:s29+$0xFFFFFE80] =	vst v39  }
0xc5: {  	v29 =	vadd.s32 s31, v33;
	v61 =	vadd.s32 s25, v13;
	v42 =	vsel vm0, v52, v42;
	[tilespmem:s21+$0xFFFFFFF0] =	vst v53  }
0xc6: {  	v52 =	vsel vm2, v32, v29;
	vm0 =	vgt.u32 v36, v2;
	v32 =	vadd.s32 s23, v11;
	[tilespmem:s29+$0x80] =	vst v1  }
0xc7: {  	v29 =	vadd.s32 s24, v2;
	v44 =	vsel vm1, v61, v44;
	vm1 =	vgt.u32 v38, v6;
	[tilespmem:s21+$0xFFFFFF00] =	vst v54  }
0xc8: {  	v57 =	vsel vm0, v32, v29;
	vm0 =	vgt.u32 v37, v6;
	v29 =	vadd.s32 s25, v17;
	[tilespmem:s29+$0xFFFFFF80] =	vst v43  }
0xc9: {  	v32 =	vadd.s32 s26, v17;
	v62 =	vsel vm0, v29, v46;
	v41 =	vadd.s32 s15, v6;
	v3 =	vld [tilespmem:$0x1FDE0]  }
0xca: {  	vm0 =	vgt.u32 v38, v8;
	v41 =	vsel vm1, v32, v41;
	v32 =	vadd.s32 s15, v8  }
0xcb: {  	vm1 =	vgt.u32 v37, v8;
	v61 =	vsel vm0, v63, v32;
	v46 =	vld.idx.msk [tilespmem:v50+s2+$0x0], $0xffff;
	v32 =	vadd.s32 s25, v9  }
0xcc: {  	v45 =	vsel vm1, v32, v47;
	v47 =	vld.idx.msk [tilespmem:v52+s2+$0x0], $0xffff;
	_ =	sdelay $0x3  }
0xcd: {  	[tilespmem:s21+$0x0] =	vst v46  }
0xce: {  	v48 =	vadd.s32 s22, v10;
	[tilespmem:s21+$0x120] =	vst v47;
	v43 =	vld.idx.msk [tilespmem:v3+s2+$0x0], $0xffff  }
0xcf: {  	v58 =	vadd.s32 s24, v4;
	vm0 =	vgt.u32 v36, v4;
	v54 =	vadd.s32 s23, v13;
	v3 =	vld [tilespmem:$0x1FDF0]  }
0xd0: {  	v63 =	vadd.s32 s25, v12;
	v50 =	vsel vm0, v54, v58;
	vm0 =	vgt.u32 v37, v10;
	v54 =	vld.idx.msk [tilespmem:v57+s2+$0x0], $0xffff  }
0xd1: {  	v58 =	vsel vm0, v63, v48;
	v48 =	vld.idx.msk [tilespmem:v0+s2+$0x0], $0xffff;
	_ =	sdelay $0x3  }
0xd2: {  	[tilespmem:s29+$0x90] =	vst v54  }
0xd3: {  	v49 =	vadd.s32 s22, v14;
	vm0 =	vgt.u32 v37, v14;
	v63 =	vadd.s32 s25, v19;
	[tilespmem:s29+$0xFFFFFE90] =	vst v48  }
0xd4: {  	v57 =	vsel vm0, v63, v49;
	[tilespmem:s21+$0xFFFFFF10] =	vst v43;
	v49 =	vld.idx.msk [tilespmem:v3+s2+$0x0], $0xffff  }
0xd5: {  	vm2 =	vgt.u32 v59, v35;
	v29 =	vadd.s32 s31, v35;
	v53 =	vadd.s32 s1, v22;
	v3 =	vld [tilespmem:$0x1FE00]  }
0xd6: {  	v53 =	vsel vm2, v53, v29  }
0xd7: {  	v40 =	vld.idx.msk [tilespmem:v40+s2+$0x0], $0xffff;
	_ =	sdelay $0x3  }
0xd8: {  	v46 =	vld.idx.msk [tilespmem:v53+s2+$0x0], $0xffff  }
0xd9: {  	v48 =	vld.idx.msk [tilespmem:v50+s2+$0x0], $0xffff;
	[tilespmem:s29+$0xFFFFFF90] =	vst v40  }
0xda: {  	[tilespmem:s21+$0x10] =	vst v49;
	v47 =	vld.idx.msk [tilespmem:v3+s2+$0x0], $0xffff  }
0xdb: {  	v3 =	vld [tilespmem:$0x1FE10]  }
0xdc: {  	v39 =	vadd.s32 s15, v14;
	v29 =	vadd.s32 s15, v10;
	v42 =	vld.idx.msk [tilespmem:v42+s2+$0x0], $0xffff  }
0xdd: {  	vm2 =	vgt.u32 v59, v30;
	vm1 =	vgt.u32 v38, v10;
	v32 =	vadd.s32 s26, v12;
	v44 =	vld.idx.msk [tilespmem:v44+s2+$0x0], $0xffff  }
0xde: {  	v1 =	vsel vm1, v32, v29;
	v0 =	vadd.s32 s1, v25;
	v29 =	vadd.s32 s31, v30  }
0xdf: {  	vm1 =	vgt.u32 v38, v14;
	v32 =	vadd.s32 s26, v19;
	v52 =	vsel vm2, v0, v29;
	[tilespmem:s21+$0x130] =	vst v46  }
0xe0: {  	v29 =	vadd.s32 s23, v17;
	v0 =	vsel vm1, v32, v39;
	v17 =	vadd.s32 s22, v21;
	[tilespmem:s29+$0xA0] =	vst v48  }
0xe1: {  	vm1 =	vgt.u32 v37, v21;
	v63 =	vadd.s32 s1, v27;
	v53 =	vadd.s32 s25, v15;
	[tilespmem:s29+$0xFFFFFEA0] =	vst v42  }
0xe2: {  	v53 =	vsel vm1, v53, v17;
	vm1 =	vgt.u32 v59, v34;
	v17 =	vadd.s32 s31, v34;
	[tilespmem:s29+$0xFFFFFFA0] =	vst v44  }
0xe3: {  	v40 =	vsel vm1, v63, v17;
	[tilespmem:s21+$0xFFFFFF20] =	vst v47;
	v63 =	vld.idx.msk [tilespmem:v3+s2+$0x0], $0xffff  }
0xe4: {  	v3 =	vld [tilespmem:$0x1FE20];
	_ =	sdelay $0x6  }
0xe5: {  	vm2 =	vgt.u32 v36, v6;
	v32 =	vadd.s32 s24, v6  }
0xe6: {  	v39 =	vsel vm2, v29, v32;
	[tilespmem:s21+$0x20] =	vst v63;
	v44 =	vld.idx.msk [tilespmem:v3+s2+$0x0], $0xffff  }
0xe7: {  	v3 =	vld [tilespmem:$0x1FE80]  }
0xe8: {  	vm0 =	vgt.u32 v38, v21;
	v29 =	vadd.s32 s15, v21;
	v32 =	vadd.s32 s26, v15  }
0xe9: {  	v54 =	vsel vm0, v32, v29  }
0xea: {  	vm0 =	vgt.u32 v38, v24;
	v29 =	vadd.s32 s26, v16;
	v32 =	vadd.s32 s23, v9;
	v48 =	vld.idx.msk [tilespmem:v52+s2+$0x0], $0xffff  }
0xeb: {  	v43 =	vadd.s32 s15, v24;
	vm1 =	vgt.u32 v36, v8;
	v17 =	vadd.s32 s24, v8;
	v39 =	vld.idx.msk [tilespmem:v39+s2+$0x0], $0xffff  }
0xec: {  	v50 =	vsel vm0, v29, v43;
	v43 =	vsel vm1, v32, v17;
	v17 =	vadd.s32 s1, v3;
	v3 =	vld [tilespmem:$0x1FE30]  }
0xed: {  	v41 =	vld.idx.msk [tilespmem:v41+s2+$0x0], $0xffff  }
0xee: {  	vm1 =	vgt.u32 v38, v26;
	v32 =	vadd.s32 s15, v26;
	v52 =	vadd.s32 s26, v20  }
0xef: {  	v47 =	vsel vm1, v52, v32;
	v52 =	vld.idx.msk [tilespmem:v62+s2+$0x0], $0xffff  }
0xf0: {  	v63 =	vld [tilespmem:$0x1FE90];
	[tilespmem:s21+$0x140] =	vst v48  }
0xf1: {  	[tilespmem:s29+$0xB0] =	vst v39  }
0xf2: {  	[tilespmem:s29+$0xFFFFFEB0] =	vst v41  }
0xf3: {  	[tilespmem:s21+$0xFFFFFF30] =	vst v44  }
0xf4: {  	[tilespmem:s29+$0xFFFFFFB0] =	vst v52;
	v62 =	vld.idx.msk [tilespmem:v3+s2+$0x0], $0xffff  }
0xf5: {  	v3 =	vld [tilespmem:$0x1FE40];
	_ =	sdelay $0x3  }
0xf6: {  	v56 =	vadd.s32 s22, v26  }
0xf7: {  	v51 =	vadd.s32 s22, v24;
	vm0 =	vgt.u32 v37, v24;
	v29 =	vadd.s32 s25, v16  }
0xf8: {  	v16 =	vadd.s32 s25, v20;
	v51 =	vsel vm0, v29, v51;
	vm0 =	vgt.u32 v37, v26  }
0xf9: {  	v24 =	vadd.s32 s31, v28;
	v46 =	vsel vm0, v16, v56;
	vm0 =	vgt.u32 v59, v28  }
0xfa: {  	v56 =	vsel vm0, v17, v24;
	[tilespmem:s21+$0x30] =	vst v62;
	v24 =	vld.idx.msk [tilespmem:v3+s2+$0x0], $0xffff  }
0xfb: {  	v3 =	vld [tilespmem:$0x1FE50]  }
0xfc: {  	v40 =	vld.idx.msk [tilespmem:v40+s2+$0x0], $0xffff;
	_ =	sdelay $0x1  }
0xfd: {  	v29 =	vadd.s32 s23, v12;
	v32 =	vadd.s32 s24, v10;
	vm0 =	vgt.u32 v36, v10;
	v43 =	vld.idx.msk [tilespmem:v43+s2+$0x0], $0xffff  }
0xfe: {  	v61 =	vld.idx.msk [tilespmem:v61+s2+$0x0], $0xffff;
	v39 =	vsel vm0, v29, v32  }
0xff: {  	v45 =	vld.idx.msk [tilespmem:v45+s2+$0x0], $0xffff  }
0x100: {  	[tilespmem:s21+$0x150] =	vst v40  }
0x101: {  	v42 =	vadd.s32 s22, v33;
	v17 =	vadd.s32 s25, v18;
	vm0 =	vgt.u32 v37, v33;
	v56 =	vld.idx.msk [tilespmem:v56+s2+$0x0], $0xffff  }
0x102: {  	v48 =	vsel vm0, v17, v42;
	[tilespmem:s29+$0xC0] =	vst v43;
	v42 =	vld.idx.msk [tilespmem:v3+s2+$0x0], $0xffff  }
0x103: {  	[tilespmem:s29+$0xFFFFFEC0] =	vst v61;
	v39 =	vld.idx.msk [tilespmem:v39+s2+$0x0], $0xffff  }
0x104: {  	[tilespmem:s29+$0xFFFFFFC0] =	vst v45;
	v1 =	vld.idx.msk [tilespmem:v1+s2+$0x0], $0xffff  }
0x105: {  	[tilespmem:s21+$0xFFFFFF40] =	vst v24  }
0x106: {  	[tilespmem:s21+$0x160] =	vst v56  }
0x107: {  	[tilespmem:s21+$0x40] =	vst v42  }
0x108: {  	v60 =	vadd.s32 s22, v30;
	v55 =	vadd.s32 s22, v35;
	vm2 =	vgt.u32 v37, v30;
	v3 =	vld [tilespmem:$0x1FE60];
	[tilespmem:s29+$0xD0] =	vst v39  }
0x109: {  	v26 =	vadd.s32 s15, v33;
	v16 =	vadd.s32 s26, v18;
	vm1 =	vgt.u32 v38, v33;
	[tilespmem:s29+$0xFFFFFED0] =	vst v1  }
0x10a: {  	v49 =	vsel vm1, v16, v26;
	v26 =	vadd.s32 s26, v22;
	vm1 =	vgt.u32 v37, v35;
	v1 =	vld [tilespmem:$0x1FE80]  }
0x10b: {  	v16 =	vadd.s32 s26, v25;
	v18 =	vadd.s32 s15, v35;
	vm0 =	vgt.u32 v38, v35  }
0x10c: {  	v29 =	vadd.s32 s15, v30;
	v33 =	vadd.s32 s1, v31;
	v44 =	vsel vm0, v26, v18;
	v26 =	vld.idx.msk [tilespmem:v58+s2+$0x0], $0xffff  }
0x10d: {  	v35 =	vadd.s32 s31, v63;
	vm0 =	vgt.u32 v59, v63;
	v18 =	vadd.s32 s23, v19  }
0x10e: {  	v19 =	vadd.s32 s24, v14;
	v17 =	vsel vm0, v33, v35;
	vm0 =	vgt.u32 v36, v14  }
0x10f: {  	v32 =	vadd.s32 s25, v22;
	v52 =	vsel vm0, v18, v19;
	v35 =	vadd.s32 s26, v1;
	v1 =	vld [tilespmem:$0x1FE70]  }
0x110: {  	v33 =	vadd.s32 s25, v27;
	vm0 =	vgt.u32 v38, v34;
	v62 =	vadd.s32 s24, v21  }
0x111: {  	v43 =	vsel vm1, v32, v55;
	vm1 =	vgt.u32 v38, v30;
	v30 =	vadd.s32 s26, v27;
	[tilespmem:s29+$0xFFFFFFD0] =	vst v26;
	v31 =	vld.idx.msk [tilespmem:v3+s2+$0x0], $0xffff  }
0x112: {  	v40 =	vadd.s32 s22, v28;
	v32 =	vadd.s32 s22, v34;
	v45 =	vsel vm1, v16, v29;
	v3 =	vld [tilespmem:$0x1FE80]  }
0x113: {  	v29 =	vadd.s32 s25, v25;
	vm1 =	vgt.u32 v38, v28;
	v24 =	vadd.s32 s15, v34;
	v55 =	vld.idx.msk [tilespmem:v17+s2+$0x0], $0xffff  }
0x114: {  	v41 =	vsel vm0, v30, v24;
	vm0 =	vgt.u32 v37, v34;
	v34 =	vadd.s32 s15, v28;
	v58 =	vld.idx.msk [tilespmem:v52+s2+$0x0], $0xffff  }
0x115: {  	s18 =	sadd.s32 $0x12, s10;
	v42 =	vsel vm2, v29, v60;
	vm2 =	vgt.u32 v36, v21;
	v39 =	vadd.s32 s23, v15;
	v60 =	vld.idx.msk [tilespmem:v0+s2+$0x0], $0xffff  }
0x116: {  	s5 =	sadd.s32 s18, s5;
	v12 =	vsel vm0, v33, v32;
	vm0 =	vgt.u32 v37, v28;
	v62 =	vsel vm2, v39, v62;
	v61 =	vld.idx.msk [tilespmem:v57+s2+$0x0], $0xffff  }
0x117: {  	s0 =	simm.s32 $0x3;
	s1 =	simm.s32 $0x0;
	s31 =	simm.s32 $0x0;
	v52 =	vadd.s32 s15, v63;
	v0 =	vsel vm1, v35, v34;
	v56 =	vadd.s32 s25, v3;
	[tilespmem:s21+$0xFFFFFF50] =	vst v31;
	v1 =	vld.idx.msk [tilespmem:v1+s2+$0x0], $0xffff  }
.LBB2_2:
0x118: {  	v3 =	vld [tilespmem:$0x1FDA0];
	_ =	sdelay $0x2  }
0x119: {  	v39 =	vld [tilespmem:$0x1FFA0];
	_ =	sdelay $0x2  }
0x11a: {  	s6 =	sshrl.u32 s5, $0x1;
	s28 =	sadd.s32 $0x2FD, s28  }
0x11b: {  	v59 =	vadd.s32 s22, v63;
	s22 =	ssub.s32 s28, s6  }
0x11c: {  	v27 =	vsel vm0, v56, v40;
	vm0 =	vgt.u32 v37, v63;
	v37 =	vld.idx.msk [tilespmem:v3+s1+$0x0], $0xffff;
	v3 =	vmovc v0;
	v0 =	vadd.s32 s22, v39  }
0x11d: {  	[tilespmem:$0x1FD90] =	vst v0;
	v0 =	vld [tilespmem:$0x1FDB0]  }
0x11e: {  	v18 =	vld [tilespmem:$0x1FED0]  }
0x11f: {  	v24 =	vld [tilespmem:$0x1FFF0]  }
0x120: {  	v26 =	vld [tilespmem:$0x1FFE0]  }
0x121: {  	[tilespmem:s21+$0x170] =	vst v55;
	v11 =	vld [tilespmem:$0x1FDC0]  }
0x122: {  	v32 =	vld [tilespmem:$0x1FEA0];
	[tilespmem:s29+$0xE0] =	vst v58  }
0x123: {  	v28 =	vld.idx.msk [tilespmem:v62+s31+$0x0], $0xffff;
	[tilespmem:s29+$0xFFFFFEE0] =	vst v60  }
0x124: {  	[tilespmem:s21+$0x50] =	vst v1;
	v29 =	vld.idx.msk [tilespmem:v54+s31+$0x0], $0xffff  }
0x125: {  	v1 =	vld.idx.msk [tilespmem:v0+s1+$0x0], $0xffff  }
0x126: {  	vm1 =	vgt.u32 v38, v63;
	v20 =	vmovc v21;
	v16 =	vadd.s32 s26, v18;
	[tilespmem:s29+$0xFFFFFFE0] =	vst v61;
	v61 =	vadd.s32 s22, v21;
	v21 =	vld [tilespmem:$0x1FDD0]  }
0x127: {  	v17 =	vsel vm1, v16, v52;
	v52 =	vmov v12;
	v12 =	vld [tilespmem:$0x1FF10];
	[tilespmem:$0x1FDA0] =	vst v3  }
0x128: {  	s15 =	sadd.s32 s0, s3;
	v57 =	vadd.s32 s25, v18;
	v19 =	vadd.s32 s24, v24;
	v16 =	vld [tilespmem:$0x1FF30];
	[tilespmem:s21+$0xFFFFFF60] =	vst v37;
	v0 =	vmov v27  }
0x129: {  	s7 =	sadd.s32 $0x5, s15;
	s25 =	sadd.s32 $0x4, s15;
	v3 =	vsel vm0, v57, v59;
	vm0 =	vgt.u32 v36, v24;
	v11 =	vld.idx.msk [tilespmem:v11+s1+$0x0], $0xffff;
	[tilespmem:$0x1FDB0] =	vst v0;
	v0 =	vadd.s32 s23, v32  }
0x12a: {  	s6 =	sadd.s32 $0x2, s15;
	s26 =	sadd.s32 $0x3, s15;
	s15 =	smul.u32 s7, s25;
	[tilespmem:s29+$0xFFFFFEF0] =	vst v29;
	v29 =	vld [tilespmem:$0x1FF40];
	v7 =	vsel vm0, v0, v19  }
0x12b: {  	v25 =	vadd.s32 s22, v23;
	v15 =	vadd.s32 s22, v4;
	v13 =	vmovc v17;
	v37 =	vmov s25;
	v5 =	vld.idx.msk [tilespmem:v53+s31+$0x0], $0xffff  }
0x12c: {  	v33 =	vld [tilespmem:$0x1FFD0];
	s30 =	sadd.s32 $0x2FD, s30;
	v38 =	vmov s26;
	[tilespmem:$0x1FDC0] =	vst v13;
	s15 =	sshra.s32 s15, $0x1;
	v17 =	vadd.s32 s25, v12;
	vm1 =	vgt.u32 v37, v23  }
0x12d: {  	s6 =	smul.u32 s26, s6;
	s15 =	ssub.s32 s30, s15;
	v27 =	vmovc v3;
	v3 =	vsel vm1, v17, v25;
	v25 =	vadd.s32 s7, v12;
	[tilespmem:s21+$0x60] =	vst v1;
	v1 =	vadd.s32 s26, v12;
	v12 =	vld [tilespmem:$0x1FEF0]  }
0x12e: {  	v31 =	vadd.s32 s24, v26;
	vm2 =	vgt.u32 v38, v23;
	v13 =	vadd.s32 s22, v2;
	[tilespmem:s29+$0xF0] =	vst v28;
	s15 =	sadd.s32 $0x1FE, s15;
	v21 =	vld.idx.msk [tilespmem:v21+s1+$0x0], $0xffff;
	s1 =	smov.u32 s31  }
0x12f: {  	s6 =	sshra.s32 s6, $0x1;
	v60 =	vmov s7;
	vm3 =	vgt.u32 v37, v2;
	[tilespmem:$0x1FDD0] =	vst v27;
	v27 =	vadd.s32 s15, v23;
	v7 =	vld.idx.msk [tilespmem:v7+s1+$0x0], $0xffff  }
0x130: {  	s6 =	ssub.s32 s30, s6;
	vm1 =	vgt.u32 v36, v26;
	v19 =	vadd.s32 s25, v16;
	v28 =	vadd.s32 s23, v29;
	[tilespmem:s29+$0xFFFFFFF0] =	vst v5;
	v50 =	vld.idx.msk [tilespmem:v50+s1+$0x0], $0xffff  }
0x131: {  	v5 =	vsel vm1, v28, v31;
	vm1 =	vgt.u32 v60, v23;
	[tilespmem:s21+$0xFFFFFF70] =	vst v11;
	v11 =	vadd.s32 s6, v23;
	v23 =	vld [tilespmem:$0x1FF50]  }
0x132: {  	vm0 =	vgt.u32 v38, v2;
	v13 =	vsel vm3, v19, v13;
	v28 =	vadd.s32 s6, v2;
	v51 =	vld.idx.msk [tilespmem:v51+s1+$0x0], $0xffff  }
0x133: {  	v35 =	vld [tilespmem:$0x1FFC0];
	v31 =	vadd.s32 s6, v4;
	v17 =	vsel vm1, v25, v27;
	vm1 =	vgt.u32 v37, v4  }
0x134: {  	v30 =	vld [tilespmem:$0x1FFB0];
	v27 =	vadd.s32 s24, v33;
	v1 =	vsel vm2, v1, v11;
	v11 =	vadd.s32 s26, v16  }
0x135: {  	v22 =	vld [tilespmem:$0x1FEE0];
	vm2 =	vgt.u32 v36, v33;
	v25 =	vadd.s32 s23, v12;
	v11 =	vsel vm0, v11, v28;
	[tilespmem:s21+$0x70] =	vst v21  }
0x136: {  	vm0 =	vgt.u32 v38, v4;
	v19 =	vsel vm2, v25, v27;
	v27 =	vld [tilespmem:$0x1FF70];
	[tilespmem:s29+$0x100] =	vst v7;
	v7 =	vadd.s32 s26, v23  }
0x137: {  	s31 =	simm.s32 $0x0;
	v28 =	vadd.s32 s15, v2;
	v21 =	vadd.s32 s25, v23;
	[tilespmem:s29+$0x0] =	vst v51;
	v5 =	vld.idx.msk [tilespmem:v5+s1+$0x0], $0xffff;
	v7 =	vsel vm0, v7, v31  }
0x138: {  	v15 =	vsel vm1, v21, v15;
	vm0 =	vgt.u32 v60, v2;
	v21 =	vadd.s32 s7, v16;
	v3 =	vld.idx.msk [tilespmem:v3+s31+$0x0], $0xffff  }
0x139: {  	v21 =	vsel vm0, v21, v28;
	v28 =	vld [tilespmem:$0x1FF80]  }
0x13a: {  	v9 =	vadd.s32 s22, v6;
	[tilespmem:s29+$0xFFFFFF00] =	vst v50;
	v17 =	vld.idx.msk [tilespmem:v17+s31+$0x0], $0xffff  }
0x13b: {  	vm2 =	vgt.u32 v36, v35;
	v51 =	vadd.s32 s6, v6;
	v1 =	vld.idx.msk [tilespmem:v1+s31+$0x0], $0xffff;
	vm1 =	vgt.u32 v38, v6  }
0x13c: {  	v47 =	vld.idx.msk [tilespmem:v47+s1+$0x0], $0xffff;
	v31 =	vadd.s32 s26, v27;
	vm0 =	vgt.u32 v37, v6;
	v16 =	vadd.s32 s25, v27  }
0x13d: {  	v25 =	vadd.s32 s6, v8;
	s21 =	smov.u32 s29;
	v46 =	vld.idx.msk [tilespmem:v46+s1+$0x0], $0xffff;
	v50 =	vsel vm1, v31, v51;
	v9 =	vsel vm0, v16, v9;
	[tilespmem:s29+$0x110] =	vst v5;
	s29 =	sadd.s32 $0x300, s29  }
0x13e: {  	vm0 =	vgt.u32 v38, v8;
	v5 =	vadd.s32 s26, v28;
	v19 =	vld.idx.msk [tilespmem:v19+s1+$0x0], $0xffff;
	[tilespmem:s29+$0xFFFFFF80] =	vst v3;
	v3 =	vadd.s32 s7, v23  }
0x13f: {  	v5 =	vsel vm0, v5, v25;
	vm0 =	vgt.u32 v60, v4;
	v25 =	vadd.s32 s15, v4;
	v13 =	vld.idx.msk [tilespmem:v13+s31+$0x0], $0xffff  }
0x140: {  	v31 =	vadd.s32 s23, v22;
	v16 =	vadd.s32 s24, v35;
	v3 =	vsel vm0, v3, v25;
	v25 =	vld [tilespmem:$0x1FF00]  }
0x141: {  	[tilespmem:s29+$0x80] =	vst v17;
	v17 =	vsel vm2, v31, v16;
	v16 =	vld [tilespmem:$0x1FEB0]  }
0x142: {  	v58 =	vadd.s32 s22, v26;
	v59 =	vadd.s32 s22, v24;
	v54 =	vadd.s32 s22, v14;
	[tilespmem:s29+$0xFFFFFE80] =	vst v1;
	v21 =	vld.idx.msk [tilespmem:v21+s31+$0x0], $0xffff  }
0x143: {  	v0 =	vadd.s32 s22, v8;
	vm1 =	vgt.u32 v37, v8;
	v1 =	vadd.s32 s25, v28;
	v11 =	vld.idx.msk [tilespmem:v11+s31+$0x0], $0xffff;
	[tilespmem:s21+$0x10] =	vst v46  }
0x144: {  	v62 =	vadd.s32 s6, v14;
	v31 =	vadd.s32 s6, v10;
	v23 =	vsel vm1, v1, v0;
	v48 =	vld.idx.msk [tilespmem:v48+s1+$0x0], $0xffff  }
0x145: {  	vm0 =	vgt.u32 v38, v10;
	[tilespmem:s29+$0xFFFFFF90] =	vst v13;
	v13 =	vadd.s32 s7, v27;
	v27 =	vld [tilespmem:$0x1FF20];
	v0 =	vadd.s32 s26, v25  }
0x146: {  	v53 =	vadd.s32 s22, v10;
	vm2 =	vgt.u32 v36, v30;
	[tilespmem:s21+$0x120] =	vst v19;
	v0 =	vsel vm0, v0, v31;
	v31 =	vld [tilespmem:$0x1FF60]  }
0x147: {  	vm1 =	vgt.u32 v37, v10;
	v63 =	vadd.s32 s23, v16;
	v17 =	vld.idx.msk [tilespmem:v17+s1+$0x0], $0xffff;
	[tilespmem:s29+$0x90] =	vst v21;
	v21 =	vadd.s32 s24, v30  }
0x148: {  	[tilespmem:s21+$0xFFFFFF10] =	vst v47;
	v1 =	vadd.s32 s25, v25;
	v19 =	vsel vm2, v63, v21;
	vm2 =	vgt.u32 v60, v6  }
0x149: {  	v47 =	vld.idx.msk [tilespmem:v49+s1+$0x0], $0xffff;
	v21 =	vadd.s32 s15, v6;
	vm0 =	vgt.u32 v38, v14;
	v1 =	vsel vm1, v1, v53  }
0x14a: {  	[tilespmem:s29+$0xFFFFFE90] =	vst v11;
	v3 =	vld.idx.msk [tilespmem:v3+s31+$0x0], $0xffff;
	vm1 =	vgt.u32 v37, v14;
	v13 =	vsel vm2, v13, v21;
	v21 =	vadd.s32 s26, v27  }
0x14b: {  	v7 =	vld.idx.msk [tilespmem:v7+s31+$0x0], $0xffff;
	v51 =	vadd.s32 s25, v27;
	v11 =	vadd.s32 s26, v31;
	v53 =	vadd.s32 s25, v31  }
0x14c: {  	v63 =	vsel vm0, v11, v62;
	v11 =	vld.idx.msk [tilespmem:v15+s31+$0x0], $0xffff;
	v62 =	vsel vm1, v53, v54;
	vm1 =	vgt.u32 v37, v20  }
0x14d: {  	[tilespmem:s21+$0x130] =	vst v17;
	vm0 =	vgt.u32 v38, v20;
	v15 =	vadd.s32 s6, v20;
	v53 =	vsel vm1, v51, v61;
	v61 =	vld [tilespmem:$0x1FEC0]  }
0x14e: {  	v57 =	vadd.s32 s22, v33;
	[tilespmem:s21+$0xFFFFFF20] =	vst v47;
	vm2 =	vgt.u32 v37, v24;
	v54 =	vsel vm0, v21, v15;
	v15 =	vld.idx.msk [tilespmem:v19+s1+$0x0], $0xffff  }
0x14f: {  	v46 =	vadd.s32 s6, v24;
	vm0 =	vgt.u32 v38, v24;
	[tilespmem:s29+$0xA0] =	vst v3;
	v3 =	vld.idx.msk [tilespmem:v44+s1+$0x0], $0xffff;
	vm1 =	vgt.u32 v36, v39  }
0x150: {  	v34 =	vld [tilespmem:$0x1FF90];
	v51 =	vadd.s32 s24, v39;
	[tilespmem:s29+$0xFFFFFEA0] =	vst v7;
	v7 =	vadd.s32 s26, v32;
	v21 =	vadd.s32 s15, v8  }
0x151: {  	v24 =	vadd.s32 s26, v29;
	v19 =	vld.idx.msk [tilespmem:v50+s31+$0x0], $0xffff;
	v50 =	vsel vm0, v7, v46;
	vm0 =	vgt.u32 v38, v26;
	[tilespmem:s29+$0xFFFFFFA0] =	vst v11  }
0x152: {  	v11 =	vadd.s32 s7, v28;
	v49 =	vadd.s32 s23, v61;
	v7 =	vld.idx.msk [tilespmem:v9+s31+$0x0], $0xffff;
	v9 =	vadd.s32 s25, v32  }
0x153: {  	v28 =	vadd.s32 s25, v29;
	[tilespmem:s21+$0x20] =	vst v48;
	v17 =	vsel vm1, v49, v51;
	v51 =	vsel vm2, v9, v59;
	v59 =	vld [tilespmem:$0x1FE80]  }
0x154: {  	v13 =	vld.idx.msk [tilespmem:v13+s31+$0x0], $0xffff;
	[tilespmem:s21+$0x140] =	vst v15;
	v15 =	vadd.s32 s6, v33;
	vm1 =	vgt.u32 v60, v8;
	vm2 =	vgt.u32 v37, v33  }
0x155: {  	v9 =	vld.idx.msk [tilespmem:v43+s1+$0x0], $0xffff;
	v11 =	vsel vm1, v11, v21;
	v21 =	vadd.s32 s6, v26;
	vm1 =	vgt.u32 v37, v26  }
0x156: {  	v43 =	vld [tilespmem:$0x1FE90];
	v46 =	vsel vm1, v28, v58;
	vm1 =	vgt.u32 v38, v33;
	v33 =	vadd.s32 s25, v12  }
0x157: {  	[tilespmem:s21+$0xFFFFFF30] =	vst v3;
	v47 =	vsel vm0, v24, v21;
	v48 =	vsel vm2, v33, v57;
	v57 =	vld [tilespmem:$0x1FE90]  }
0x158: {  	vm0 =	vgt.u32 v36, v34;
	v21 =	vadd.s32 s24, v34;
	[tilespmem:s29+$0xFFFFFFB0] =	vst v7;
	v3 =	vld.idx.msk [tilespmem:v17+s1+$0x0], $0xffff;
	v29 =	vadd.s32 s23, v59  }
0x159: {  	[tilespmem:s29+$0xB0] =	vst v13;
	v13 =	vld.idx.msk [tilespmem:v45+s1+$0x0], $0xffff;
	v17 =	vsel vm0, v29, v21  }
0x15a: {  	v7 =	vadd.s32 s7, v25;
	[tilespmem:s29+$0xFFFFFEB0] =	vst v19;
	v11 =	vld.idx.msk [tilespmem:v11+s31+$0x0], $0xffff;
	vm0 =	vgt.u32 v60, v10;
	v21 =	vadd.s32 s15, v10  }
0x15b: {  	v32 =	vadd.s32 s26, v12;
	v5 =	vld.idx.msk [tilespmem:v5+s31+$0x0], $0xffff;
	v7 =	vsel vm0, v7, v21  }
0x15c: {  	v56 =	vadd.s32 s22, v35;
	v49 =	vsel vm1, v32, v15;
	v23 =	vld.idx.msk [tilespmem:v23+s31+$0x0], $0xffff;
	[tilespmem:s21+$0x30] =	vst v9  }
0x15d: {  	v9 =	vadd.s32 s6, v35;
	v15 =	vld.idx.msk [tilespmem:v42+s1+$0x0], $0xffff;
	v42 =	vadd.s32 s26, v22;
	vm0 =	vgt.u32 v38, v35;
	[tilespmem:s21+$0x150] =	vst v3  }
0x15e: {  	vm1 =	vgt.u32 v37, v35;
	v45 =	vadd.s32 s23, v18;
	v44 =	vsel vm0, v42, v9;
	[tilespmem:s21+$0xFFFFFF40] =	vst v13;
	v13 =	vld.idx.msk [tilespmem:v17+s1+$0x0], $0xffff  }
0x15f: {  	v9 =	vadd.s32 s25, v22;
	vm0 =	vgt.u32 v36, v43;
	v19 =	vadd.s32 s24, v57;
	[tilespmem:s29+$0xC0] =	vst v11;
	v11 =	vld.idx.msk [tilespmem:v41+s1+$0x0], $0xffff  }
0x160: {  	v43 =	vsel vm1, v9, v56;
	v9 =	vsel vm0, v45, v19;
	[tilespmem:s29+$0xFFFFFEC0] =	vst v5;
	v7 =	vld.idx.msk [tilespmem:v7+s31+$0x0], $0xffff  }
0x161: {  	v0 =	vld.idx.msk [tilespmem:v0+s31+$0x0], $0xffff  }
0x162: {  	v55 =	vadd.s32 s22, v30  }
0x163: {  	vm1 =	vgt.u32 v38, v30;
	v3 =	vadd.s32 s6, v30;
	[tilespmem:s29+$0xFFFFFFC0] =	vst v23;
	v5 =	vadd.s32 s26, v16  }
0x164: {  	vm2 =	vgt.u32 v37, v30;
	v21 =	vld.idx.msk [tilespmem:v1+s31+$0x0], $0xffff;
	v45 =	vsel vm1, v5, v3;
	v3 =	vadd.s32 s25, v16;
	[tilespmem:s21+$0x160] =	vst v13  }
0x165: {  	s23 =	smov.u32 s7;
	v36 =	vmov v60;
	s24 =	smov.u32 s15;
	v42 =	vsel vm2, v3, v55;
	v55 =	vld.idx.msk [tilespmem:v9+s1+$0x0], $0xffff;
	[tilespmem:s29+$0xD0] =	vst v7  }
0x166: {  	v58 =	vadd.s32 s23, v31;
	vm0 =	vgt.u32 v36, v14;
	v60 =	vadd.s32 s24, v14;
	v7 =	vld [tilespmem:$0x1FD90];
	[tilespmem:s29+$0xFFFFFED0] =	vst v0  }
0x167: {  	s0 =	sadd.s32 $0x3, s0;
	v40 =	vadd.s32 s22, v34;
	v56 =	vadd.s32 s25, v59;
	v17 =	vsel vm0, v58, v60;
	v60 =	vld.idx.msk [tilespmem:v63+s31+$0x0], $0xffff  }
0x168: {  	p0 =	slt.u32 s0, $0x7B;
	v23 =	vlaneseq.u32;
	v1 =	vadd.s32 s6, v39;
	vm0 =	vgt.u32 v38, v39;
	v63 =	vld [tilespmem:$0x1FE90]  }
.Ltmp0:
0x169: {  	vm1 =	vgt.u32 v37, v39;
	v5 =	vadd.s32 s6, v34;
	v3 =	vadd.s32 s26, v61;
	(pc) =	sbr.rel @p0 .LBB2_2-.Ltmp0, $4  }
0x16a: {  	[tilespmem:s21+$0x40] =	vst v15;
	vm2 =	vgt.u32 v36, v20;
	v41 =	vsel vm0, v3, v1;
	v3 =	vadd.s32 s26, v59  }
0x16b: {  	v1 =	vld.idx.msk [tilespmem:v52+s1+$0x0], $0xffff;
	vm0 =	vgt.u32 v37, v34;
	v13 =	vadd.s32 s25, v61;
	[tilespmem:s29+$0xFFFFFFD0] =	vst v21;
	v9 =	vadd.s32 s24, v20  }
0x16c: {  	s18 =	sadd.s32 $0x12, s18;
	v21 =	vmovc v20;
	v61 =	vld.idx.msk [tilespmem:v62+s31+$0x0], $0xffff;
	v12 =	vsel vm1, v13, v7;
	vm1 =	vgt.u32 v38, v34;
	v7 =	vadd.s32 s23, v27  }
0x16d: {  	s5 =	sadd.s32 s18, s5;
	v58 =	vld.idx.msk [tilespmem:v17+s31+$0x0], $0xffff;
	[tilespmem:s21+$0xFFFFFF50] =	vst v11;
	v0 =	vsel vm1, v3, v5;
	v52 =	vadd.s32 s6, v63;
	v62 =	vsel vm2, v7, v9  }
0x16e: {  	_ =	sdelay $0x2  }
0x16f: {  	[tilespmem:s29+$0xFFFFFEE0] =	vst v60  }
0x170: {  	v9 =	vld.idx.msk [tilespmem:v54+s31+$0x0], $0xffff;
	[tilespmem:s29+$0xE0] =	vst v58  }
0x171: {  	v3 =	vld.idx.msk [tilespmem:v62+s31+$0x0], $0xffff  }
0x172: {  	v24 =	vld [tilespmem:$0x1FFF0]  }
0x173: {  	v16 =	vld [tilespmem:$0x1FEA0];
	_ =	sdelay $0x1  }
0x174: {  	[tilespmem:s29+$0xFFFFFFE0] =	vst v61  }
0x175: {  	[tilespmem:s29+$0xFFFFFEF0] =	vst v9  }
0x176: {  	[tilespmem:s29+$0xF0] =	vst v3  }
0x177: {  	vm1 =	vgt.u32 v36, v24;
	v5 =	vadd.s32 s23, v16;
	v7 =	vadd.s32 s24, v24;
	v26 =	vld [tilespmem:$0x1FFE0]  }
0x178: {  	v5 =	vsel vm1, v5, v7;
	v22 =	vld [tilespmem:$0x1FF40];
	_ =	sdelay $0x3  }
0x179: {  	v7 =	vld.idx.msk [tilespmem:v53+s31+$0x0], $0xffff  }
0x17a: {  	v3 =	vld.idx.msk [tilespmem:v5+s31+$0x0], $0xffff;
	vm7 =	vgt.u32 v36, v26;
	v5 =	vadd.s32 s23, v22;
	v9 =	vadd.s32 s24, v26  }
0x17b: {  	v11 =	vld.idx.msk [tilespmem:v50+s31+$0x0], $0xffff;
	v5 =	vsel vm7, v5, v9;
	_ =	sdelay $0x2  }
0x17c: {  	[tilespmem:s29+$0xFFFFFFF0] =	vst v7  }
0x17d: {  	v7 =	vld.idx.msk [tilespmem:v51+s31+$0x0], $0xffff;
	[tilespmem:s29+$0x100] =	vst v3  }
0x17e: {  	[tilespmem:s29+$0xFFFFFF00] =	vst v11;
	v3 =	vld.idx.msk [tilespmem:v5+s31+$0x0], $0xffff  }
0x17f: {  	v33 =	vld [tilespmem:$0x1FFD0]  }
0x180: {  	v18 =	vld [tilespmem:$0x1FEF0];
	_ =	sdelay $0x2  }
0x181: {  	[tilespmem:s29+$0x0] =	vst v7  }
0x182: {  	[tilespmem:s29+$0x110] =	vst v3  }
0x183: {  	vm8 =	vgt.u32 v36, v33;
	v5 =	vadd.s32 s23, v18;
	v9 =	vadd.s32 s24, v33;
	v35 =	vld [tilespmem:$0x1FFC0]  }
0x184: {  	v5 =	vsel vm8, v5, v9;
	v62 =	vld [tilespmem:$0x1FEE0];
	_ =	sdelay $0x2  }
0x185: {  	v7 =	vld.idx.msk [tilespmem:v47+s31+$0x0], $0xffff  }
0x186: {  	v9 =	vld.idx.msk [tilespmem:v46+s31+$0x0], $0xffff  }
0x187: {  	v3 =	vld.idx.msk [tilespmem:v5+s31+$0x0], $0xffff;
	vm9 =	vgt.u32 v36, v35;
	v5 =	vadd.s32 s23, v62;
	v11 =	vadd.s32 s24, v35  }
0x188: {  	v5 =	vsel vm9, v5, v11;
	_ =	sdelay $0x1  }
0x189: {  	[tilespmem:s29+$0xFFFFFF10] =	vst v7  }
0x18a: {  	v7 =	vld.idx.msk [tilespmem:v49+s31+$0x0], $0xffff;
	[tilespmem:s29+$0x10] =	vst v9  }
0x18b: {  	v9 =	vld.idx.msk [tilespmem:v48+s31+$0x0], $0xffff;
	[tilespmem:s29+$0x120] =	vst v3  }
0x18c: {  	v3 =	vld.idx.msk [tilespmem:v5+s31+$0x0], $0xffff  }
0x18d: {  	v30 =	vld [tilespmem:$0x1FFB0]  }
0x18e: {  	v32 =	vld [tilespmem:$0x1FEB0];
	_ =	sdelay $0x2  }
0x18f: {  	[tilespmem:s29+$0xFFFFFF20] =	vst v7  }
0x190: {  	[tilespmem:s29+$0x20] =	vst v9;
	v7 =	vld.idx.msk [tilespmem:v44+s31+$0x0], $0xffff  }
0x191: {  	v9 =	vld.idx.msk [tilespmem:v43+s31+$0x0], $0xffff;
	vm10 =	vgt.u32 v36, v30;
	v5 =	vadd.s32 s23, v32;
	v11 =	vadd.s32 s24, v30;
	[tilespmem:s29+$0x130] =	vst v3  }
0x192: {  	v5 =	vsel vm10, v5, v11;
	v29 =	vld [tilespmem:$0x1FFA0]  }
0x193: {  	v27 =	vld [tilespmem:$0x1FEC0];
	_ =	sdelay $0x3  }
0x194: {  	[tilespmem:s29+$0xFFFFFF30] =	vst v7;
	v3 =	vld.idx.msk [tilespmem:v5+s31+$0x0], $0xffff  }
0x195: {  	[tilespmem:s29+$0x30] =	vst v9;
	v7 =	vld.idx.msk [tilespmem:v45+s31+$0x0], $0xffff;
	vm11 =	vgt.u32 v36, v29;
	v5 =	vadd.s32 s23, v27;
	v11 =	vadd.s32 s24, v29  }
0x196: {  	v9 =	vld.idx.msk [tilespmem:v42+s31+$0x0], $0xffff;
	v5 =	vsel vm11, v5, v11;
	_ =	sdelay $0x2  }
0x197: {  	[tilespmem:s29+$0x140] =	vst v3  }
0x198: {  	v34 =	vld [tilespmem:$0x1FF90];
	[tilespmem:s29+$0xFFFFFF40] =	vst v7  }
0x199: {  	v3 =	vld.idx.msk [tilespmem:v5+s31+$0x0], $0xffff;
	[tilespmem:s29+$0x40] =	vst v9  }
0x19a: {  	v13 =	vld [tilespmem:$0x1FDA0];
	[tilespmem:s21+$0x50] =	vst v1  }
0x19b: {  	v1 =	vld [tilespmem:$0x1FDB0];
	_ =	sdelay $0x3  }
0x19c: {  	v7 =	vld.idx.msk [tilespmem:v41+s31+$0x0], $0xffff  }
0x19d: {  	v5 =	vadd.s32 s23, v59;
	v9 =	vld.idx.msk [tilespmem:v12+s31+$0x0], $0xffff;
	vm12 =	vgt.u32 v36, v34;
	v11 =	vadd.s32 s24, v34;
	[tilespmem:s29+$0x150] =	vst v3  }
0x19e: {  	v5 =	vsel vm12, v5, v11;
	v31 =	vld [tilespmem:$0x1FED0]  }
0x19f: {  	v11 =	vsel vm0, v56, v40;
	v13 =	vld.idx.msk [tilespmem:v13+s1+$0x0], $0xffff  }
0x1a0: {  	v1 =	vld.idx.msk [tilespmem:v1+s1+$0x0], $0xffff  }
0x1a1: {  	[tilespmem:s29+$0xFFFFFF50] =	vst v7  }
0x1a2: {  	v0 =	vld.idx.msk [tilespmem:v0+s31+$0x0], $0xffff  }
0x1a3: {  	vm13 =	vgt.u32 v38, v63;
	[tilespmem:s29+$0x50] =	vst v9;
	v3 =	vld.idx.msk [tilespmem:v5+s31+$0x0], $0xffff  }
0x1a4: {  	vm14 =	vgt.u32 v36, v63;
	v15 =	vadd.s32 s24, v63;
	v5 =	vadd.s32 s23, v31;
	v11 =	vld.idx.msk [tilespmem:v11+s31+$0x0], $0xffff;
	[tilespmem:s21+$0xFFFFFF60] =	vst v13  }
0x1a5: {  	vm15 =	vgt.u32 v37, v63;
	v7 =	vadd.s32 s26, v31;
	v5 =	vsel vm14, v5, v15;
	v13 =	vld [tilespmem:$0x1FDC0];
	[tilespmem:s21+$0x60] =	vst v1  }
0x1a6: {  	v9 =	vadd.s32 s25, v31;
	v15 =	vadd.s32 s22, v63;
	v7 =	vsel vm13, v7, v52;
	v1 =	vld [tilespmem:$0x1FDD0]  }
0x1a7: {  	v9 =	vsel vm15, v9, v15;
	_ =	sdelay $0x1  }
0x1a8: {  	[tilespmem:s29+$0x160] =	vst v3  }
0x1a9: {  	[tilespmem:s29+$0xFFFFFF60] =	vst v0;
	v3 =	vld.idx.msk [tilespmem:v5+s31+$0x0], $0xffff  }
0x1aa: {  	[tilespmem:s29+$0x60] =	vst v11;
	v0 =	vld.idx.msk [tilespmem:v7+s31+$0x0], $0xffff  }
0x1ab: {  	v5 =	vld.idx.msk [tilespmem:v9+s31+$0x0], $0xffff  }
0x1ac: {  	v13 =	vld.idx.msk [tilespmem:v13+s1+$0x0], $0xffff  }
0x1ad: {  	[tilespmem:s21+$0x170] =	vst v55;
	v1 =	vld.idx.msk [tilespmem:v1+s1+$0x0], $0xffff  }
0x1ae: {  	[tilespmem:s29+$0x170] =	vst v3  }
0x1af: {  	[tilespmem:s29+$0xFFFFFF70] =	vst v0  }
0x1b0: {  	[tilespmem:s29+$0x70] =	vst v5  }
0x1b1: {  	[tilespmem:s21+$0xFFFFFF70] =	vst v13  }
0x1b2: {  	[tilespmem:s21+$0x70] =	vst v1  }
0x1b3: {  	v7 =	vld [tilespmem:$0x1FF10]  }
0x1b4: {  	v11 =	vld [tilespmem:$0x1FF30]  }
0x1b5: {  	v13 =	vld [tilespmem:$0x1FF50]  }
0x1b6: {  	v17 =	vld [tilespmem:$0x1FF70]  }
0x1b7: {  	v9 =	vld [tilespmem:$0x1FF80]  }
0x1b8: {  	v12 =	vld [tilespmem:$0x1FF00]  }
0x1b9: {  	s0 =	smov.u32 s11;
	v19 =	vld [tilespmem:$0x1FF60]  }
0x1ba: {  	s6 =	smov.u32 s14;
	s5 =	smov.u32 s12;
	v20 =	vmov v22;
	v22 =	vmov v62;
	v25 =	vmov v32;
	s1 =	smov.u32 s13;
	v15 =	vld [tilespmem:$0x1FF20]  }
.LBB2_4:
0x1bb: {  	s7 =	sshrl.u32 s1, $0x1  }
0x1bc: {  	v0 =	vmov s0;
	s7 =	ssub.s32 s5, s7  }
0x1bd: {  	v1 =	vadd.s32 s0, v7;
	vm0 =	vgt.u32 v0, v23;
	v3 =	vadd.s32 s7, v23  }
0x1be: {  	v1 =	vsel vm0, v1, v3;
	_ =	sdelay $0x4  }
0x1bf: {  	vm13 =	vgt.u32 v0, v2;
	v5 =	vadd.s32 s7, v2;
	v3 =	vadd.s32 s0, v11;
	v1 =	vld.idx.msk [tilespmem:v1+s2+$0x0], $0xffff  }
0x1c0: {  	v3 =	vsel vm13, v3, v5;
	_ =	sdelay $0x2  }
0x1c1: {  	s15 =	sshra.s32 s31, $0x2  }
0x1c2: {  	[tilespmem:s15+$0xFE80] =	vst v1  }
0x1c3: {  	vm14 =	vgt.u32 v0, v4;
	v5 =	vadd.s32 s7, v4;
	v1 =	vld.idx.msk [tilespmem:v3+s2+$0x0], $0xffff;
	v3 =	vadd.s32 s0, v13  }
0x1c4: {  	v3 =	vsel vm14, v3, v5;
	_ =	sdelay $0x3  }
0x1c5: {  	[tilespmem:s15+$0xFE90] =	vst v1  }
0x1c6: {  	vm15 =	vgt.u32 v0, v6;
	v5 =	vadd.s32 s7, v6;
	v1 =	vld.idx.msk [tilespmem:v3+s2+$0x0], $0xffff;
	v3 =	vadd.s32 s0, v17  }
0x1c7: {  	v3 =	vsel vm15, v3, v5;
	_ =	sdelay $0x3  }
0x1c8: {  	[tilespmem:s15+$0xFEA0] =	vst v1  }
0x1c9: {  	vm4 =	vgt.u32 v0, v8;
	v5 =	vadd.s32 s7, v8;
	v1 =	vld.idx.msk [tilespmem:v3+s2+$0x0], $0xffff;
	v3 =	vadd.s32 s0, v9  }
0x1ca: {  	v3 =	vsel vm4, v3, v5;
	_ =	sdelay $0x3  }
0x1cb: {  	[tilespmem:s15+$0xFEB0] =	vst v1  }
0x1cc: {  	vm5 =	vgt.u32 v0, v10;
	v5 =	vadd.s32 s7, v10;
	v1 =	vld.idx.msk [tilespmem:v3+s2+$0x0], $0xffff;
	v3 =	vadd.s32 s0, v12  }
0x1cd: {  	v3 =	vsel vm5, v3, v5;
	_ =	sdelay $0x3  }
0x1ce: {  	[tilespmem:s15+$0xFEC0] =	vst v1  }
0x1cf: {  	vm6 =	vgt.u32 v0, v14;
	v5 =	vadd.s32 s7, v14;
	v1 =	vld.idx.msk [tilespmem:v3+s2+$0x0], $0xffff;
	v3 =	vadd.s32 s0, v19  }
0x1d0: {  	v3 =	vsel vm6, v3, v5;
	_ =	sdelay $0x3  }
0x1d1: {  	[tilespmem:s15+$0xFED0] =	vst v1  }
0x1d2: {  	vm7 =	vgt.u32 v0, v21;
	v5 =	vadd.s32 s7, v21;
	v1 =	vld.idx.msk [tilespmem:v3+s2+$0x0], $0xffff;
	v3 =	vadd.s32 s0, v15  }
0x1d3: {  	v3 =	vsel vm7, v3, v5;
	_ =	sdelay $0x3  }
0x1d4: {  	[tilespmem:s15+$0xFEE0] =	vst v1  }
0x1d5: {  	vm8 =	vgt.u32 v0, v24;
	v5 =	vadd.s32 s7, v24;
	v1 =	vld.idx.msk [tilespmem:v3+s2+$0x0], $0xffff;
	v3 =	vadd.s32 s0, v16  }
0x1d6: {  	v3 =	vsel vm8, v3, v5;
	_ =	sdelay $0x3  }
0x1d7: {  	[tilespmem:s15+$0xFEF0] =	vst v1  }
0x1d8: {  	vm9 =	vgt.u32 v0, v26;
	v5 =	vadd.s32 s7, v26;
	v1 =	vld.idx.msk [tilespmem:v3+s2+$0x0], $0xffff;
	v3 =	vadd.s32 s0, v20  }
0x1d9: {  	v3 =	vsel vm9, v3, v5;
	_ =	sdelay $0x3  }
0x1da: {  	[tilespmem:s15+$0xFF00] =	vst v1  }
0x1db: {  	vm10 =	vgt.u32 v0, v33;
	v5 =	vadd.s32 s7, v33;
	v1 =	vld.idx.msk [tilespmem:v3+s2+$0x0], $0xffff;
	v3 =	vadd.s32 s0, v18  }
0x1dc: {  	v3 =	vsel vm10, v3, v5;
	_ =	sdelay $0x3  }
0x1dd: {  	[tilespmem:s15+$0xFF10] =	vst v1  }
0x1de: {  	vm11 =	vgt.u32 v0, v35;
	v5 =	vadd.s32 s7, v35;
	v1 =	vld.idx.msk [tilespmem:v3+s2+$0x0], $0xffff;
	v3 =	vadd.s32 s0, v22  }
0x1df: {  	v3 =	vsel vm11, v3, v5;
	_ =	sdelay $0x3  }
0x1e0: {  	[tilespmem:s15+$0xFF20] =	vst v1  }
0x1e1: {  	vm12 =	vgt.u32 v0, v30;
	v5 =	vadd.s32 s7, v30;
	v1 =	vld.idx.msk [tilespmem:v3+s2+$0x0], $0xffff;
	v3 =	vadd.s32 s0, v25  }
0x1e2: {  	v3 =	vsel vm12, v3, v5;
	_ =	sdelay $0x3  }
0x1e3: {  	[tilespmem:s15+$0xFF30] =	vst v1  }
0x1e4: {  	vm13 =	vgt.u32 v0, v29;
	v5 =	vadd.s32 s7, v29;
	v1 =	vld.idx.msk [tilespmem:v3+s2+$0x0], $0xffff;
	v3 =	vadd.s32 s0, v27  }
0x1e5: {  	v3 =	vsel vm13, v3, v5;
	_ =	sdelay $0x3  }
0x1e6: {  	[tilespmem:s15+$0xFF40] =	vst v1  }
0x1e7: {  	vm14 =	vgt.u32 v0, v34;
	v5 =	vadd.s32 s7, v34;
	v1 =	vld.idx.msk [tilespmem:v3+s2+$0x0], $0xffff;
	v3 =	vadd.s32 s0, v59  }
0x1e8: {  	v3 =	vsel vm14, v3, v5;
	_ =	sdelay $0x3  }
0x1e9: {  	[tilespmem:s15+$0xFF50] =	vst v1  }
0x1ea: {  	vm15 =	vgt.u32 v0, v63;
	v0 =	vadd.s32 s0, v31;
	v1 =	vld.idx.msk [tilespmem:v3+s2+$0x0], $0xffff;
	v3 =	vadd.s32 s7, v63  }
0x1eb: {  	v0 =	vsel vm15, v0, v3;
	_ =	sdelay $0x3  }
0x1ec: {  	[tilespmem:s15+$0xFF60] =	vst v1  }
0x1ed: {  	p0 =	sne.s32 s31, $0x400;
	v0 =	vld.idx.msk [tilespmem:v0+s2+$0x0], $0xffff  }
.Ltmp1:
0x1ee: {  	_ = 	snop;
	(pc) =	sbr.rel @p0 .LBB2_4-.Ltmp1, $3  }
0x1ef: {  	_ =	sdelay $0x1  }
0x1f0: {  	s30 =	sadd.s32 $0x2, s6;
	s1 =	sadd.s32 s6, s1;
	s31 =	sadd.s32 $0x400, s31  }
0x1f1: {  	s5 =	sadd.s32 $0xFF, s5;
	s6 =	smov.u32 s30;
	s0 =	sadd.s32 $0x1, s0;
	[tilespmem:s15+$0xFF70] =	vst v0  }
0x1f2: {  	s0 =	rddreg [dreg:$0x4];
	s18 =	simm.s32 $0x80;
	s1 =	simm.s32 $0x8080  }
0x1f3: {  	[hbm4b:s0+s18] =	stream.strided.scatter [tilespmem:s1], [sflag:$0x1], $0x8000, s16, s18, $0x38;
	[tilespmem:$0x10080] =	vst v63  }
0x1f4: {  	_ =	swait.ge [sflag:s19], $0x8000  }
0x1f5: {  	s20 =	sadd.s32 $0x1, s20;
	s31 =	rddreg [dreg:$0x5]  }
0x1f6: {  	p0 =	sne.s32 s20, s31  }
.Ltmp2:
0x1f7: {  	_ = 	snop;
	(pc) =	sbr.rel @p0 .LBB2_1-.Ltmp2, $3  }
0x1f8: {  	_ =	sdelay $0x1  }
0x1f9: {  	[sflag:s19] =	ssyncset.done $0x0  }
0x1fa: {  	[sflag:s19] =	ssyncadd.s32 $0xFFFF8000  }
0x1fb: {  	_ =	sfence.sel $0x180000  }
0x1fc: {  	[bflag:$0x0] =	sbarrier.arrive $0xFFFF  }
0x1fd: {  	_ =	strace $0x90000047  }
0x1fe: {  	s0 =	stileid.u32;
	[bflag:$0x2] =	sbarrier.arrive $0xFFFF  }
0x1ff: {  	p0 =	sne.s32 s0, $0x0;
	s0 =	rddreg [dreg:$0x2]  }
0x200: {  	s0 =	sadd.s32 @!p0 $0x100000, s0  }
0x201: {  	[sflag:s0] =	ssyncadd.tile.s32 @!p0 $0x1;
	_ =	shalt  }
.Lfunc_end2:
_tile_overlayer_lowered:
.L_overlay_start_2:
0x202: {  	(tag) =	ssettag $0x2  }
0x203: {  	s0 =	rddreg [dreg:$0x0];
	s2 =	stileid.u32  }
0x204: {  	s1 =	rddreg [dreg:$0x1];
	p0 =	sne.s32 s2, $0x0  }
0x205: {  	s3 =	rddreg [dreg:$0x2];
	[bflag:$0x3] =	sbarrier.arrive $0xFFFF;
	s2 =	simm.s32 @!p0 $0x1C02  }
0x206: {  	[timem:s3], [sflag:s2] =	dma.local @!p0 [hbm:s0], s1  }
0x207: {  	s0 =	simm.s32 @!p0 $0x2  }
0x208: {  	_ =	swait.ge @!p0 [sflag:s0], s1  }
0x209: {  	s1 =	ssub.s32 @!p0 $0x0, s1;
	[sflag:s0] =	ssyncset.done @!p0 $0x0  }
0x20a: {  	[sflag:s0] =	ssyncadd.s32 @!p0 s1  }
0x20b: {  	[bflag:$0x3] =	sbarrier.arrive $0xFFFF  }
0x20c: {  	_ =	shalt  }

</sc_bundles>
